<compile_context>
chip_gen: v7x
topology: tpu7x:2x2x1
jax: 0.10.2.dev20260603
libtpu: 0.0.44.dev20260713+nightly
codegen_flags: <defaults>
</compile_context>

<pallas_src>
import functools

import jax
import jax.numpy as jnp
from jax import lax
from jax.experimental import pallas as pl
from jax.experimental.pallas import tpu as pltpu
from jax.experimental.pallas import tpu_sc as plsc

N_TOKENS = 16384
D_MODEL = 1024
BLK = 1024

NC = 2
ROWS_PER_CORE = N_TOKENS // NC
CH = 512
NCH = ROWS_PER_CORE // CH


def _tc_body(x_ref, wg_ref, bg_ref, o1_ref, o2_ref):
    xb = x_ref[...]
    z = jnp.dot(xb, wg_ref[...], preferred_element_type=jnp.float32) + bg_ref[...]
    m0 = (z[:, 0:1] > 0.0).astype(jnp.float32)
    m1 = (z[:, 1:2] > 0.0).astype(jnp.float32)
    b = xb * m1
    o1_ref[...] = b
    o2_ref[...] = xb * m0 + b


def _sc_body(x_hbm, out_hbm, sp0, sp1, si0, si1, so0, so1):
    c = lax.axis_index("c")
    s = lax.axis_index("s")
    base = c * ROWS_PER_CORE
    sps = (sp0, sp1)
    sis = (si0, si1)
    sos = (so0, so1)

    def in_copy(ci):
        b = ci % 2
        return pltpu.make_async_copy(
            x_hbm.at[pl.ds(base + ci * CH, CH)], sps[b], sis[b])

    def out_copy(ci):
        b = ci % 2
        return pltpu.make_async_copy(
            sps[b], out_hbm.at[pl.ds(base + ci * CH, CH)], sos[b])

    @pl.when(s == 0)
    def _():
        in_copy(0).start()
        for ci in range(NCH):
            in_copy(ci).wait()
            if ci >= 2:
                out_copy(ci - 2).wait()
            if ci + 1 < NCH:
                in_copy(ci + 1).start()
            out_copy(ci).start()
        out_copy(NCH - 2).wait()
        out_copy(NCH - 1).wait()


def kernel(x, Wg, bg):
    n, d = x.shape
    sc_call = functools.partial(
        pl.kernel,
        out_type=jax.ShapeDtypeStruct((n, d), jnp.float32),
        mesh=plsc.VectorSubcoreMesh(core_axis_name="c", subcore_axis_name="s"),
        scratch_types=[
            pltpu.VMEM_SHARED((CH, d), jnp.float32),
            pltpu.VMEM_SHARED((CH, d), jnp.float32),
            pltpu.SemaphoreType.DMA,
            pltpu.SemaphoreType.DMA,
            pltpu.SemaphoreType.DMA,
            pltpu.SemaphoreType.DMA,
        ],
        compiler_params=pltpu.CompilerParams(needs_layout_passes=False),
    )(_sc_body)
    o0 = sc_call(x)

    wg_pad = jnp.zeros((d, 128), jnp.float32).at[:, : Wg.shape[1]].set(Wg)
    bg_pad = jnp.zeros((1, 128), jnp.float32).at[0, : bg.shape[0]].set(bg)
    out_shape = jax.ShapeDtypeStruct((n, d), jnp.float32)
    o1, o2 = pl.pallas_call(
        _tc_body,
        grid=(n // BLK,),
        in_specs=[
            pl.BlockSpec((BLK, d), lambda i: (i, 0)),
            pl.BlockSpec((d, 128), lambda i: (0, 0)),
            pl.BlockSpec((1, 128), lambda i: (0, 0)),
        ],
        out_specs=[
            pl.BlockSpec((BLK, d), lambda i: (i, 0)),
            pl.BlockSpec((BLK, d), lambda i: (i, 0)),
        ],
        out_shape=[out_shape, out_shape],
    )(x, wg_pad, bg_pad)
    return (o0, o1, o2)

# --- scband reference (transcript-rebuilt; emitter-appended) ---
"""Pipeline reference for scband-branch-route-60284160966844 (READ-ONLY COPY).

The authoritative reference and input builder live on the scoring server;
editing this copy changes nothing except your own understanding.
"""

import jax, jax.numpy as jnp
import numpy as np

N_TOKENS = 16384
D_MODEL = 1024
N_PATHS = 2
THRESHOLD = 0.5


def setup_inputs(seed: int = 0) -> dict:
    key = jax.random.key(seed)
    k1, k2 = jax.random.split(key, 2)
    x = jax.random.normal(k1, (N_TOKENS, D_MODEL), dtype=jnp.float32)
    # gate = nn.Sequential(nn.Linear(1024, 2), nn.Sigmoid()) parameters
    Wg = jax.random.normal(k2, (D_MODEL, N_PATHS), dtype=jnp.float32) * 0.02
    bg = jnp.zeros((N_PATHS,), dtype=jnp.float32)
    return {"x": x, "Wg": Wg, "bg": bg}


def reference(x, Wg, bg):
    # annotator: marks cell granularity dims, mathematically identity
    # gate: Linear + Sigmoid -> per-token per-path score
    score = jax.nn.sigmoid(x @ Wg + bg)  # [N, 2]
    # ThresholdProtocol(threshold=0.5): token goes to path j iff score[:, j] > 0.5
    mask = (score > THRESHOLD).astype(x.dtype)  # [N, 2]
    # dispatch fabric (path-wise padded layout, capacity = N): routed copy of each
    # token on each selected path, zeros elsewhere. dispatch_score=False so the
    # raw token values (not score-weighted) are dispatched.
    x_0 = x * mask[:, 0:1]  # expert1 = Identity
    x_1 = x * mask[:, 1:2]  # expert2 = Identity
    # combine fabric: scatter routed results back to original positions and sum
    x_out = x_0 + x_1
    return (x_0, x_1, x_out)

if __name__ == "__main__":
    import jax
    _d = setup_inputs()
    print(jax.jit(kernel)(*tuple(_d.values())))

</pallas_src>

<mosaic_0001>
#map = affine_map<(d0, d1) -> (0, 0)>
module attributes {stable_mosaic.version = 14 : i64} {
  func.func @_sc_body(%arg0: i32, %arg1: i32, %arg2: memref<16384x1024xf32, #tpu.memory_space<hbm>>, %arg3: memref<16384x1024xf32, #tpu.memory_space<hbm>>, %arg4: memref<512x1024xf32, #tpu.memory_space<vmem_shared>>, %arg5: memref<512x1024xf32, #tpu.memory_space<vmem_shared>>, %arg6: memref<!tpu.dma_semaphore, #tpu.memory_space<semaphore_mem>>, %arg7: memref<!tpu.dma_semaphore, #tpu.memory_space<semaphore_mem>>, %arg8: memref<!tpu.dma_semaphore, #tpu.memory_space<semaphore_mem>>, %arg9: memref<!tpu.dma_semaphore, #tpu.memory_space<semaphore_mem>>) attributes {dimension_semantics = [#tpu.dimension_semantics<core_parallel>, #tpu.dimension_semantics<subcore_parallel>], iteration_bounds = array<i64: 2, 16>, scalar_prefetch = 0 : i64, scratch_operands = 6 : i64, tpu.core_type = #tpu.core_type<sc_vector_subcore>, window_params = [{transform_indices = #map}, {transform_indices = #map}]} {
    %mul3A = arith.constant 8192 : i32
    %mul3A_0 = arith.muli %arg0, %mul3A : i32
    %eq3A = arith.constant 0 : i32
    %eq3A_1 = arith.cmpi eq, %arg1, %eq3A : i32
    %convert_element_type3A = arith.extui %eq3A_1 : i1 to i32
    %cond3A = arith.constant 0 : i32
    %cond3A_2 = arith.cmpi ne, %convert_element_type3A, %cond3A : i32
    scf.if %cond3A_2 {
      %add3A = arith.constant 0 : i32
      %add3A_3 = arith.addi %mul3A_0, %add3A : i32
      %dma_start3A = arith.constant 0 : i32
      %dma_start3A_4 = tpu.memref_slice %arg2[%add3A_3, %dma_start3A] : memref<16384x1024xf32, #tpu.memory_space<hbm>> -> memref<512x1024xf32, #tpu.memory_space<hbm>>
      tpu.enqueue_dma source(%dma_start3A_4 : memref<512x1024xf32, #tpu.memory_space<hbm>>) target(%arg4 : memref<512x1024xf32, #tpu.memory_space<vmem_shared>>) target_semaphore(%arg6 : memref<!tpu.dma_semaphore, #tpu.memory_space<semaphore_mem>>)
      %add3A_5 = arith.constant 0 : i32
      %add3A_6 = arith.addi %mul3A_0, %add3A_5 : i32
      %dma_wait3A = arith.constant 0 : i32
      %dma_wait3A_7 = tpu.memref_slice %arg2[%add3A_6, %dma_wait3A] : memref<16384x1024xf32, #tpu.memory_space<hbm>> -> memref<512x1024xf32, #tpu.memory_space<hbm>>
      tpu.wait_dma2 semaphore(%arg6 : memref<!tpu.dma_semaphore, #tpu.memory_space<semaphore_mem>>) src(%dma_wait3A_7 : memref<512x1024xf32, #tpu.memory_space<hbm>>) dst(%arg4 : memref<512x1024xf32, #tpu.memory_space<vmem_shared>>)
      %add3A_8 = arith.constant 512 : i32
      %add3A_9 = arith.addi %mul3A_0, %add3A_8 : i32
      %dma_start3A_10 = arith.constant 0 : i32
      %dma_start3A_11 = tpu.memref_slice %arg2[%add3A_9, %dma_start3A_10] : memref<16384x1024xf32, #tpu.memory_space<hbm>> -> memref<512x1024xf32, #tpu.memory_space<hbm>>
      tpu.enqueue_dma source(%dma_start3A_11 : memref<512x1024xf32, #tpu.memory_space<hbm>>) target(%arg5 : memref<512x1024xf32, #tpu.memory_space<vmem_shared>>) target_semaphore(%arg7 : memref<!tpu.dma_semaphore, #tpu.memory_space<semaphore_mem>>)
      %add3A_12 = arith.constant 0 : i32
      %add3A_13 = arith.addi %mul3A_0, %add3A_12 : i32
      %dma_start3A_14 = arith.constant 0 : i32
      %dma_start3A_15 = tpu.memref_slice %arg3[%add3A_13, %dma_start3A_14] : memref<16384x1024xf32, #tpu.memory_space<hbm>> -> memref<512x1024xf32, #tpu.memory_space<hbm>>
      tpu.enqueue_dma source(%arg4 : memref<512x1024xf32, #tpu.memory_space<vmem_shared>>) target(%dma_start3A_15 : memref<512x1024xf32, #tpu.memory_space<hbm>>) target_semaphore(%arg8 : memref<!tpu.dma_semaphore, #tpu.memory_space<semaphore_mem>>)
      %add3A_16 = arith.constant 512 : i32
      %add3A_17 = arith.addi %mul3A_0, %add3A_16 : i32
      %dma_wait3A_18 = arith.constant 0 : i32
      %dma_wait3A_19 = tpu.memref_slice %arg2[%add3A_17, %dma_wait3A_18] : memref<16384x1024xf32, #tpu.memory_space<hbm>> -> memref<512x1024xf32, #tpu.memory_space<hbm>>
      tpu.wait_dma2 semaphore(%arg7 : memref<!tpu.dma_semaphore, #tpu.memory_space<semaphore_mem>>) src(%dma_wait3A_19 : memref<512x1024xf32, #tpu.memory_space<hbm>>) dst(%arg5 : memref<512x1024xf32, #tpu.memory_space<vmem_shared>>)
      %add3A_20 = arith.constant 1024 : i32
      %add3A_21 = arith.addi %mul3A_0, %add3A_20 : i32
      %dma_start3A_22 = arith.constant 0 : i32
      %dma_start3A_23 = tpu.memref_slice %arg2[%add3A_21, %dma_start3A_22] : memref<16384x1024xf32, #tpu.memory_space<hbm>> -> memref<512x1024xf32, #tpu.memory_space<hbm>>
      tpu.enqueue_dma source(%dma_start3A_23 : memref<512x1024xf32, #tpu.memory_space<hbm>>) target(%arg4 : memref<512x1024xf32, #tpu.memory_space<vmem_shared>>) target_semaphore(%arg6 : memref<!tpu.dma_semaphore, #tpu.memory_space<semaphore_mem>>)
      %add3A_24 = arith.constant 512 : i32
      %add3A_25 = arith.addi %mul3A_0, %add3A_24 : i32
      %dma_start3A_26 = arith.constant 0 : i32
      %dma_start3A_27 = tpu.memref_slice %arg3[%add3A_25, %dma_start3A_26] : memref<16384x1024xf32, #tpu.memory_space<hbm>> -> memref<512x1024xf32, #tpu.memory_space<hbm>>
      tpu.enqueue_dma source(%arg5 : memref<512x1024xf32, #tpu.memory_space<vmem_shared>>) target(%dma_start3A_27 : memref<512x1024xf32, #tpu.memory_space<hbm>>) target_semaphore(%arg9 : memref<!tpu.dma_semaphore, #tpu.memory_space<semaphore_mem>>)
      %add3A_28 = arith.constant 1024 : i32
      %add3A_29 = arith.addi %mul3A_0, %add3A_28 : i32
      %dma_wait3A_30 = arith.constant 0 : i32
      %dma_wait3A_31 = tpu.memref_slice %arg2[%add3A_29, %dma_wait3A_30] : memref<16384x1024xf32, #tpu.memory_space<hbm>> -> memref<512x1024xf32, #tpu.memory_space<hbm>>
      tpu.wait_dma2 semaphore(%arg6 : memref<!tpu.dma_semaphore, #tpu.memory_space<semaphore_mem>>) src(%dma_wait3A_31 : memref<512x1024xf32, #tpu.memory_space<hbm>>) dst(%arg4 : memref<512x1024xf32, #tpu.memory_space<vmem_shared>>)
      %add3A_32 = arith.constant 0 : i32
      %add3A_33 = arith.addi %mul3A_0, %add3A_32 : i32
      %dma_wait3A_34 = arith.constant 0 : i32
      %dma_wait3A_35 = tpu.memref_slice %arg3[%add3A_33, %dma_wait3A_34] : memref<16384x1024xf32, #tpu.memory_space<hbm>> -> memref<512x1024xf32, #tpu.memory_space<hbm>>
      tpu.wait_dma2 semaphore(%arg8 : memref<!tpu.dma_semaphore, #tpu.memory_space<semaphore_mem>>) src(%arg4 : memref<512x1024xf32, #tpu.memory_space<vmem_shared>>) dst(%dma_wait3A_35 : memref<512x1024xf32, #tpu.memory_space<hbm>>)
      %add3A_36 = arith.constant 1536 : i32
      %add3A_37 = arith.addi %mul3A_0, %add3A_36 : i32
      %dma_start3A_38 = arith.constant 0 : i32
      %dma_start3A_39 = tpu.memref_slice %arg2[%add3A_37, %dma_start3A_38] : memref<16384x1024xf32, #tpu.memory_space<hbm>> -> memref<512x1024xf32, #tpu.memory_space<hbm>>
      tpu.enqueue_dma source(%dma_start3A_39 : memref<512x1024xf32, #tpu.memory_space<hbm>>) target(%arg5 : memref<512x1024xf32, #tpu.memory_space<vmem_shared>>) target_semaphore(%arg7 : memref<!tpu.dma_semaphore, #tpu.memory_space<semaphore_mem>>)
      %add3A_40 = arith.constant 1024 : i32
      %add3A_41 = arith.addi %mul3A_0, %add3A_40 : i32
      %dma_start3A_42 = arith.constant 0 : i32
      %dma_start3A_43 = tpu.memref_slice %arg3[%add3A_41, %dma_start3A_42] : memref<16384x1024xf32, #tpu.memory_space<hbm>> -> memref<512x1024xf32, #tpu.memory_space<hbm>>
      tpu.enqueue_dma source(%arg4 : memref<512x1024xf32, #tpu.memory_space<vmem_shared>>) target(%dma_start3A_43 : memref<512x1024xf32, #tpu.memory_space<hbm>>) target_semaphore(%arg8 : memref<!tpu.dma_semaphore, #tpu.memory_space<semaphore_mem>>)
      %add3A_44 = arith.constant 1536 : i32
      %add3A_45 = arith.addi %mul3A_0, %add3A_44 : i32
      %dma_wait3A_46 = arith.constant 0 : i32
      %dma_wait3A_47 = tpu.memref_slice %arg2[%add3A_45, %dma_wait3A_46] : memref<16384x1024xf32, #tpu.memory_space<hbm>> -> memref<512x1024xf32, #tpu.memory_space<hbm>>
      tpu.wait_dma2 semaphore(%arg7 : memref<!tpu.dma_semaphore, #tpu.memory_space<semaphore_mem>>) src(%dma_wait3A_47 : memref<512x1024xf32, #tpu.memory_space<hbm>>) dst(%arg5 : memref<512x1024xf32, #tpu.memory_space<vmem_shared>>)
      %add3A_48 = arith.constant 512 : i32
      %add3A_49 = arith.addi %mul3A_0, %add3A_48 : i32
      %dma_wait3A_50 = arith.constant 0 : i32
      %dma_wait3A_51 = tpu.memref_slice %arg3[%add3A_49, %dma_wait3A_50] : memref<16384x1024xf32, #tpu.memory_space<hbm>> -> memref<512x1024xf32, #tpu.memory_space<hbm>>
      tpu.wait_dma2 semaphore(%arg9 : memref<!tpu.dma_semaphore, #tpu.memory_space<semaphore_mem>>) src(%arg5 : memref<512x1024xf32, #tpu.memory_space<vmem_shared>>) dst(%dma_wait3A_51 : memref<512x1024xf32, #tpu.memory_space<hbm>>)
      %add3A_52 = arith.constant 2048 : i32
      %add3A_53 = arith.addi %mul3A_0, %add3A_52 : i32
      %dma_start3A_54 = arith.constant 0 : i32
      %dma_start3A_55 = tpu.memref_slice %arg2[%add3A_53, %dma_start3A_54] : memref<16384x1024xf32, #tpu.memory_space<hbm>> -> memref<512x1024xf32, #tpu.memory_space<hbm>>
      tpu.enqueue_dma source(%dma_start3A_55 : memref<512x1024xf32, #tpu.memory_space<hbm>>) target(%arg4 : memref<512x1024xf32, #tpu.memory_space<vmem_shared>>) target_semaphore(%arg6 : memref<!tpu.dma_semaphore, #tpu.memory_space<semaphore_mem>>)
      %add3A_56 = arith.constant 1536 : i32
      %add3A_57 = arith.addi %mul3A_0, %add3A_56 : i32
      %dma_start3A_58 = arith.constant 0 : i32
      %dma_start3A_59 = tpu.memref_slice %arg3[%add3A_57, %dma_start3A_58] : memref<16384x1024xf32, #tpu.memory_space<hbm>> -> memref<512x1024xf32, #tpu.memory_space<hbm>>
      tpu.enqueue_dma source(%arg5 : memref<512x1024xf32, #tpu.memory_space<vmem_shared>>) target(%dma_start3A_59 : memref<512x1024xf32, #tpu.memory_space<hbm>>) target_semaphore(%arg9 : memref<!tpu.dma_semaphore, #tpu.memory_space<semaphore_mem>>)
      %add3A_60 = arith.constant 2048 : i32
      %add3A_61 = arith.addi %mul3A_0, %add3A_60 : i32
      %dma_wait3A_62 = arith.constant 0 : i32
      %dma_wait3A_63 = tpu.memref_slice %arg2[%add3A_61, %dma_wait3A_62] : memref<16384x1024xf32, #tpu.memory_space<hbm>> -> memref<512x1024xf32, #tpu.memory_space<hbm>>
      tpu.wait_dma2 semaphore(%arg6 : memref<!tpu.dma_semaphore, #tpu.memory_space<semaphore_mem>>) src(%dma_wait3A_63 : memref<512x1024xf32, #tpu.memory_space<hbm>>) dst(%arg4 : memref<512x1024xf32, #tpu.memory_space<vmem_shared>>)
      %add3A_64 = arith.constant 1024 : i32
      %add3A_65 = arith.addi %mul3A_0, %add3A_64 : i32
      %dma_wait3A_66 = arith.constant 0 : i32
      %dma_wait3A_67 = tpu.memref_slice %arg3[%add3A_65, %dma_wait3A_66] : memref<16384x1024xf32, #tpu.memory_space<hbm>> -> memref<512x1024xf32, #tpu.memory_space<hbm>>
      tpu.wait_dma2 semaphore(%arg8 : memref<!tpu.dma_semaphore, #tpu.memory_space<semaphore_mem>>) src(%arg4 : memref<512x1024xf32, #tpu.memory_space<vmem_shared>>) dst(%dma_wait3A_67 : memref<512x1024xf32, #tpu.memory_space<hbm>>)
      %add3A_68 = arith.constant 2560 : i32
      %add3A_69 = arith.addi %mul3A_0, %add3A_68 : i32
      %dma_start3A_70 = arith.constant 0 : i32
      %dma_start3A_71 = tpu.memref_slice %arg2[%add3A_69, %dma_start3A_70] : memref<16384x1024xf32, #tpu.memory_space<hbm>> -> memref<512x1024xf32, #tpu.memory_space<hbm>>
      tpu.enqueue_dma source(%dma_start3A_71 : memref<512x1024xf32, #tpu.memory_space<hbm>>) target(%arg5 : memref<512x1024xf32, #tpu.memory_space<vmem_shared>>) target_semaphore(%arg7 : memref<!tpu.dma_semaphore, #tpu.memory_space<semaphore_mem>>)
      %add3A_72 = arith.constant 2048 : i32
      %add3A_73 = arith.addi %mul3A_0, %add3A_72 : i32
      %dma_start3A_74 = arith.constant 0 : i32
      %dma_start3A_75 = tpu.memref_slice %arg3[%add3A_73, %dma_start3A_74] : memref<16384x1024xf32, #tpu.memory_space<hbm>> -> memref<512x1024xf32, #tpu.memory_space<hbm>>
      tpu.enqueue_dma source(%arg4 : memref<512x1024xf32, #tpu.memory_space<vmem_shared>>) target(%dma_start3A_75 : memref<512x1024xf32, #tpu.memory_space<hbm>>) target_semaphore(%arg8 : memref<!tpu.dma_semaphore, #tpu.memory_space<semaphore_mem>>)
      %add3A_76 = arith.constant 2560 : i32
      %add3A_77 = arith.addi %mul3A_0, %add3A_76 : i32
      %dma_wait3A_78 = arith.constant 0 : i32
      %dma_wait3A_79 = tpu.memref_slice %arg2[%add3A_77, %dma_wait3A_78] : memref<16384x1024xf32, #tpu.memory_space<hbm>> -> memref<512x1024xf32, #tpu.memory_space<hbm>>
      tpu.wait_dma2 semaphore(%arg7 : memref<!tpu.dma_semaphore, #tpu.memory_space<semaphore_mem>>) src(%dma_wait3A_79 : memref<512x1024xf32, #tpu.memory_space<hbm>>) dst(%arg5 : memref<512x1024xf32, #tpu.memory_space<vmem_shared>>)
      %add3A_80 = arith.constant 1536 : i32
      %add3A_81 = arith.addi %mul3A_0, %add3A_80 : i32
      %dma_wait3A_82 = arith.constant 0 : i32
      %dma_wait3A_83 = tpu.memref_slice %arg3[%add3A_81, %dma_wait3A_82] : memref<16384x1024xf32, #tpu.memory_space<hbm>> -> memref<512x1024xf32, #tpu.memory_space<hbm>>
      tpu.wait_dma2 semaphore(%arg9 : memref<!tpu.dma_semaphore, #tpu.memory_space<semaphore_mem>>) src(%arg5 : memref<512x1024xf32, #tpu.memory_space<vmem_shared>>) dst(%dma_wait3A_83 : memref<512x1024xf32, #tpu.memory_space<hbm>>)
      %add3A_84 = arith.constant 3072 : i32
      %add3A_85 = arith.addi %mul3A_0, %add3A_84 : i32
      %dma_start3A_86 = arith.constant 0 : i32
      %dma_start3A_87 = tpu.memref_slice %arg2[%add3A_85, %dma_start3A_86] : memref<16384x1024xf32, #tpu.memory_space<hbm>> -> memref<512x1024xf32, #tpu.memory_space<hbm>>
      tpu.enqueue_dma source(%dma_start3A_87 : memref<512x1024xf32, #tpu.memory_space<hbm>>) target(%arg4 : memref<512x1024xf32, #tpu.memory_space<vmem_shared>>) target_semaphore(%arg6 : memref<!tpu.dma_semaphore, #tpu.memory_space<semaphore_mem>>)
      %add3A_88 = arith.constant 2560 : i32
      %add3A_89 = arith.addi %mul3A_0, %add3A_88 : i32
      %dma_start3A_90 = arith.constant 0 : i32
      %dma_start3A_91 = tpu.memref_slice %arg3[%add3A_89, %dma_start3A_90] : memref<16384x1024xf32, #tpu.memory_space<hbm>> -> memref<512x1024xf32, #tpu.memory_space<hbm>>
      tpu.enqueue_dma source(%arg5 : memref<512x1024xf32, #tpu.memory_space<vmem_shared>>) target(%dma_start3A_91 : memref<512x1024xf32, #tpu.memory_space<hbm>>) target_semaphore(%arg9 : memref<!tpu.dma_semaphore, #tpu.memory_space<semaphore_mem>>)
      %add3A_92 = arith.constant 3072 : i32
      %add3A_93 = arith.addi %mul3A_0, %add3A_92 : i32
      %dma_wait3A_94 = arith.constant 0 : i32
      %dma_wait3A_95 = tpu.memref_slice %arg2[%add3A_93, %dma_wait3A_94] : memref<16384x1024xf32, #tpu.memory_space<hbm>> -> memref<512x1024xf32, #tpu.memory_space<hbm>>
      tpu.wait_dma2 semaphore(%arg6 : memref<!tpu.dma_semaphore, #tpu.memory_space<semaphore_mem>>) src(%dma_wait3A_95 : memref<512x1024xf32, #tpu.memory_space<hbm>>) dst(%arg4 : memref<512x1024xf32, #tpu.memory_space<vmem_shared>>)
      %add3A_96 = arith.constant 2048 : i32
      %add3A_97 = arith.addi %mul3A_0, %add3A_96 : i32
      %dma_wait3A_98 = arith.constant 0 : i32
      %dma_wait3A_99 = tpu.memref_slice %arg3[%add3A_97, %dma_wait3A_98] : memref<16384x1024xf32, #tpu.memory_space<hbm>> -> memref<512x1024xf32, #tpu.memory_space<hbm>>
      tpu.wait_dma2 semaphore(%arg8 : memref<!tpu.dma_semaphore, #tpu.memory_space<semaphore_mem>>) src(%arg4 : memref<512x1024xf32, #tpu.memory_space<vmem_shared>>) dst(%dma_wait3A_99 : memref<512x1024xf32, #tpu.memory_space<hbm>>)
      %add3A_100 = arith.constant 3584 : i32
      %add3A_101 = arith.addi %mul3A_0, %add3A_100 : i32
      %dma_start3A_102 = arith.constant 0 : i32
      %dma_start3A_103 = tpu.memref_slice %arg2[%add3A_101, %dma_start3A_102] : memref<16384x1024xf32, #tpu.memory_space<hbm>> -> memref<512x1024xf32, #tpu.memory_space<hbm>>
      tpu.enqueue_dma source(%dma_start3A_103 : memref<512x1024xf32, #tpu.memory_space<hbm>>) target(%arg5 : memref<512x1024xf32, #tpu.memory_space<vmem_shared>>) target_semaphore(%arg7 : memref<!tpu.dma_semaphore, #tpu.memory_space<semaphore_mem>>)
      %add3A_104 = arith.constant 3072 : i32
      %add3A_105 = arith.addi %mul3A_0, %add3A_104 : i32
      %dma_start3A_106 = arith.constant 0 : i32
      %dma_start3A_107 = tpu.memref_slice %arg3[%add3A_105, %dma_start3A_106] : memref<16384x1024xf32, #tpu.memory_space<hbm>> -> memref<512x1024xf32, #tpu.memory_space<hbm>>
      tpu.enqueue_dma source(%arg4 : memref<512x1024xf32, #tpu.memory_space<vmem_shared>>) target(%dma_start3A_107 : memref<512x1024xf32, #tpu.memory_space<hbm>>) target_semaphore(%arg8 : memref<!tpu.dma_semaphore, #tpu.memory_space<semaphore_mem>>)
      %add3A_108 = arith.constant 3584 : i32
      %add3A_109 = arith.addi %mul3A_0, %add3A_108 : i32
      %dma_wait3A_110 = arith.constant 0 : i32
      %dma_wait3A_111 = tpu.memref_slice %arg2[%add3A_109, %dma_wait3A_110] : memref<16384x1024xf32, #tpu.memory_space<hbm>> -> memref<512x1024xf32, #tpu.memory_space<hbm>>
      tpu.wait_dma2 semaphore(%arg7 : memref<!tpu.dma_semaphore, #tpu.memory_space<semaphore_mem>>) src(%dma_wait3A_111 : memref<512x1024xf32, #tpu.memory_space<hbm>>) dst(%arg5 : memref<512x1024xf32, #tpu.memory_space<vmem_shared>>)
      %add3A_112 = arith.constant 2560 : i32
      %add3A_113 = arith.addi %mul3A_0, %add3A_112 : i32
      %dma_wait3A_114 = arith.constant 0 : i32
      %dma_wait3A_115 = tpu.memref_slice %arg3[%add3A_113, %dma_wait3A_114] : memref<16384x1024xf32, #tpu.memory_space<hbm>> -> memref<512x1024xf32, #tpu.memory_space<hbm>>
      tpu.wait_dma2 semaphore(%arg9 : memref<!tpu.dma_semaphore, #tpu.memory_space<semaphore_mem>>) src(%arg5 : memref<512x1024xf32, #tpu.memory_space<vmem_shared>>) dst(%dma_wait3A_115 : memref<512x1024xf32, #tpu.memory_space<hbm>>)
      %add3A_116 = arith.constant 4096 : i32
      %add3A_117 = arith.addi %mul3A_0, %add3A_116 : i32
      %dma_start3A_118 = arith.constant 0 : i32
      %dma_start3A_119 = tpu.memref_slice %arg2[%add3A_117, %dma_start3A_118] : memref<16384x1024xf32, #tpu.memory_space<hbm>> -> memref<512x1024xf32, #tpu.memory_space<hbm>>
      tpu.enqueue_dma source(%dma_start3A_119 : memref<512x1024xf32, #tpu.memory_space<hbm>>) target(%arg4 : memref<512x1024xf32, #tpu.memory_space<vmem_shared>>) target_semaphore(%arg6 : memref<!tpu.dma_semaphore, #tpu.memory_space<semaphore_mem>>)
      %add3A_120 = arith.constant 3584 : i32
      %add3A_121 = arith.addi %mul3A_0, %add3A_120 : i32
      %dma_start3A_122 = arith.constant 0 : i32
      %dma_start3A_123 = tpu.memref_slice %arg3[%add3A_121, %dma_start3A_122] : memref<16384x1024xf32, #tpu.memory_space<hbm>> -> memref<512x1024xf32, #tpu.memory_space<hbm>>
      tpu.enqueue_dma source(%arg5 : memref<512x1024xf32, #tpu.memory_space<vmem_shared>>) target(%dma_start3A_123 : memref<512x1024xf32, #tpu.memory_space<hbm>>) target_semaphore(%arg9 : memref<!tpu.dma_semaphore, #tpu.memory_space<semaphore_mem>>)
      %add3A_124 = arith.constant 4096 : i32
      %add3A_125 = arith.addi %mul3A_0, %add3A_124 : i32
      %dma_wait3A_126 = arith.constant 0 : i32
      %dma_wait3A_127 = tpu.memref_slice %arg2[%add3A_125, %dma_wait3A_126] : memref<16384x1024xf32, #tpu.memory_space<hbm>> -> memref<512x1024xf32, #tpu.memory_space<hbm>>
      tpu.wait_dma2 semaphore(%arg6 : memref<!tpu.dma_semaphore, #tpu.memory_space<semaphore_mem>>) src(%dma_wait3A_127 : memref<512x1024xf32, #tpu.memory_space<hbm>>) dst(%arg4 : memref<512x1024xf32, #tpu.memory_space<vmem_shared>>)
      %add3A_128 = arith.constant 3072 : i32
      %add3A_129 = arith.addi %mul3A_0, %add3A_128 : i32
      %dma_wait3A_130 = arith.constant 0 : i32
      %dma_wait3A_131 = tpu.memref_slice %arg3[%add3A_129, %dma_wait3A_130] : memref<16384x1024xf32, #tpu.memory_space<hbm>> -> memref<512x1024xf32, #tpu.memory_space<hbm>>
      tpu.wait_dma2 semaphore(%arg8 : memref<!tpu.dma_semaphore, #tpu.memory_space<semaphore_mem>>) src(%arg4 : memref<512x1024xf32, #tpu.memory_space<vmem_shared>>) dst(%dma_wait3A_131 : memref<512x1024xf32, #tpu.memory_space<hbm>>)
      %add3A_132 = arith.constant 4608 : i32
      %add3A_133 = arith.addi %mul3A_0, %add3A_132 : i32
      %dma_start3A_134 = arith.constant 0 : i32
      %dma_start3A_135 = tpu.memref_slice %arg2[%add3A_133, %dma_start3A_134] : memref<16384x1024xf32, #tpu.memory_space<hbm>> -> memref<512x1024xf32, #tpu.memory_space<hbm>>
      tpu.enqueue_dma source(%dma_start3A_135 : memref<512x1024xf32, #tpu.memory_space<hbm>>) target(%arg5 : memref<512x1024xf32, #tpu.memory_space<vmem_shared>>) target_semaphore(%arg7 : memref<!tpu.dma_semaphore, #tpu.memory_space<semaphore_mem>>)
      %add3A_136 = arith.constant 4096 : i32
      %add3A_137 = arith.addi %mul3A_0, %add3A_136 : i32
      %dma_start3A_138 = arith.constant 0 : i32
      %dma_start3A_139 = tpu.memref_slice %arg3[%add3A_137, %dma_start3A_138] : memref<16384x1024xf32, #tpu.memory_space<hbm>> -> memref<512x1024xf32, #tpu.memory_space<hbm>>
      tpu.enqueue_dma source(%arg4 : memref<512x1024xf32, #tpu.memory_space<vmem_shared>>) target(%dma_start3A_139 : memref<512x1024xf32, #tpu.memory_space<hbm>>) target_semaphore(%arg8 : memref<!tpu.dma_semaphore, #tpu.memory_space<semaphore_mem>>)
      %add3A_140 = arith.constant 4608 : i32
      %add3A_141 = arith.addi %mul3A_0, %add3A_140 : i32
      %dma_wait3A_142 = arith.constant 0 : i32
      %dma_wait3A_143 = tpu.memref_slice %arg2[%add3A_141, %dma_wait3A_142] : memref<16384x1024xf32, #tpu.memory_space<hbm>> -> memref<512x1024xf32, #tpu.memory_space<hbm>>
      tpu.wait_dma2 semaphore(%arg7 : memref<!tpu.dma_semaphore, #tpu.memory_space<semaphore_mem>>) src(%dma_wait3A_143 : memref<512x1024xf32, #tpu.memory_space<hbm>>) dst(%arg5 : memref<512x1024xf32, #tpu.memory_space<vmem_shared>>)
      %add3A_144 = arith.constant 3584 : i32
      %add3A_145 = arith.addi %mul3A_0, %add3A_144 : i32
      %dma_wait3A_146 = arith.constant 0 : i32
      %dma_wait3A_147 = tpu.memref_slice %arg3[%add3A_145, %dma_wait3A_146] : memref<16384x1024xf32, #tpu.memory_space<hbm>> -> memref<512x1024xf32, #tpu.memory_space<hbm>>
      tpu.wait_dma2 semaphore(%arg9 : memref<!tpu.dma_semaphore, #tpu.memory_space<semaphore_mem>>) src(%arg5 : memref<512x1024xf32, #tpu.memory_space<vmem_shared>>) dst(%dma_wait3A_147 : memref<512x1024xf32, #tpu.memory_space<hbm>>)
      %add3A_148 = arith.constant 5120 : i32
      %add3A_149 = arith.addi %mul3A_0, %add3A_148 : i32
      %dma_start3A_150 = arith.constant 0 : i32
      %dma_start3A_151 = tpu.memref_slice %arg2[%add3A_149, %dma_start3A_150] : memref<16384x1024xf32, #tpu.memory_space<hbm>> -> memref<512x1024xf32, #tpu.memory_space<hbm>>
      tpu.enqueue_dma source(%dma_start3A_151 : memref<512x1024xf32, #tpu.memory_space<hbm>>) target(%arg4 : memref<512x1024xf32, #tpu.memory_space<vmem_shared>>) target_semaphore(%arg6 : memref<!tpu.dma_semaphore, #tpu.memory_space<semaphore_mem>>)
      %add3A_152 = arith.constant 4608 : i32
      %add3A_153 = arith.addi %mul3A_0, %add3A_152 : i32
      %dma_start3A_154 = arith.constant 0 : i32
      %dma_start3A_155 = tpu.memref_slice %arg3[%add3A_153, %dma_start3A_154] : memref<16384x1024xf32, #tpu.memory_space<hbm>> -> memref<512x1024xf32, #tpu.memory_space<hbm>>
      tpu.enqueue_dma source(%arg5 : memref<512x1024xf32, #tpu.memory_space<vmem_shared>>) target(%dma_start3A_155 : memref<512x1024xf32, #tpu.memory_space<hbm>>) target_semaphore(%arg9 : memref<!tpu.dma_semaphore, #tpu.memory_space<semaphore_mem>>)
      %add3A_156 = arith.constant 5120 : i32
      %add3A_157 = arith.addi %mul3A_0, %add3A_156 : i32
      %dma_wait3A_158 = arith.constant 0 : i32
      %dma_wait3A_159 = tpu.memref_slice %arg2[%add3A_157, %dma_wait3A_158] : memref<16384x1024xf32, #tpu.memory_space<hbm>> -> memref<512x1024xf32, #tpu.memory_space<hbm>>
      tpu.wait_dma2 semaphore(%arg6 : memref<!tpu.dma_semaphore, #tpu.memory_space<semaphore_mem>>) src(%dma_wait3A_159 : memref<512x1024xf32, #tpu.memory_space<hbm>>) dst(%arg4 : memref<512x1024xf32, #tpu.memory_space<vmem_shared>>)
      %add3A_160 = arith.constant 4096 : i32
      %add3A_161 = arith.addi %mul3A_0, %add3A_160 : i32
      %dma_wait3A_162 = arith.constant 0 : i32
      %dma_wait3A_163 = tpu.memref_slice %arg3[%add3A_161, %dma_wait3A_162] : memref<16384x1024xf32, #tpu.memory_space<hbm>> -> memref<512x1024xf32, #tpu.memory_space<hbm>>
      tpu.wait_dma2 semaphore(%arg8 : memref<!tpu.dma_semaphore, #tpu.memory_space<semaphore_mem>>) src(%arg4 : memref<512x1024xf32, #tpu.memory_space<vmem_shared>>) dst(%dma_wait3A_163 : memref<512x1024xf32, #tpu.memory_space<hbm>>)
      %add3A_164 = arith.constant 5632 : i32
      %add3A_165 = arith.addi %mul3A_0, %add3A_164 : i32
      %dma_start3A_166 = arith.constant 0 : i32
      %dma_start3A_167 = tpu.memref_slice %arg2[%add3A_165, %dma_start3A_166] : memref<16384x1024xf32, #tpu.memory_space<hbm>> -> memref<512x1024xf32, #tpu.memory_space<hbm>>
      tpu.enqueue_dma source(%dma_start3A_167 : memref<512x1024xf32, #tpu.memory_space<hbm>>) target(%arg5 : memref<512x1024xf32, #tpu.memory_space<vmem_shared>>) target_semaphore(%arg7 : memref<!tpu.dma_semaphore, #tpu.memory_space<semaphore_mem>>)
      %add3A_168 = arith.constant 5120 : i32
      %add3A_169 = arith.addi %mul3A_0, %add3A_168 : i32
      %dma_start3A_170 = arith.constant 0 : i32
      %dma_start3A_171 = tpu.memref_slice %arg3[%add3A_169, %dma_start3A_170] : memref<16384x1024xf32, #tpu.memory_space<hbm>> -> memref<512x1024xf32, #tpu.memory_space<hbm>>
      tpu.enqueue_dma source(%arg4 : memref<512x1024xf32, #tpu.memory_space<vmem_shared>>) target(%dma_start3A_171 : memref<512x1024xf32, #tpu.memory_space<hbm>>) target_semaphore(%arg8 : memref<!tpu.dma_semaphore, #tpu.memory_space<semaphore_mem>>)
      %add3A_172 = arith.constant 5632 : i32
      %add3A_173 = arith.addi %mul3A_0, %add3A_172 : i32
      %dma_wait3A_174 = arith.constant 0 : i32
      %dma_wait3A_175 = tpu.memref_slice %arg2[%add3A_173, %dma_wait3A_174] : memref<16384x1024xf32, #tpu.memory_space<hbm>> -> memref<512x1024xf32, #tpu.memory_space<hbm>>
      tpu.wait_dma2 semaphore(%arg7 : memref<!tpu.dma_semaphore, #tpu.memory_space<semaphore_mem>>) src(%dma_wait3A_175 : memref<512x1024xf32, #tpu.memory_space<hbm>>) dst(%arg5 : memref<512x1024xf32, #tpu.memory_space<vmem_shared>>)
      %add3A_176 = arith.constant 4608 : i32
      %add3A_177 = arith.addi %mul3A_0, %add3A_176 : i32
      %dma_wait3A_178 = arith.constant 0 : i32
      %dma_wait3A_179 = tpu.memref_slice %arg3[%add3A_177, %dma_wait3A_178] : memref<16384x1024xf32, #tpu.memory_space<hbm>> -> memref<512x1024xf32, #tpu.memory_space<hbm>>
      tpu.wait_dma2 semaphore(%arg9 : memref<!tpu.dma_semaphore, #tpu.memory_space<semaphore_mem>>) src(%arg5 : memref<512x1024xf32, #tpu.memory_space<vmem_shared>>) dst(%dma_wait3A_179 : memref<512x1024xf32, #tpu.memory_space<hbm>>)
      %add3A_180 = arith.constant 6144 : i32
      %add3A_181 = arith.addi %mul3A_0, %add3A_180 : i32
      %dma_start3A_182 = arith.constant 0 : i32
      %dma_start3A_183 = tpu.memref_slice %arg2[%add3A_181, %dma_start3A_182] : memref<16384x1024xf32, #tpu.memory_space<hbm>> -> memref<512x1024xf32, #tpu.memory_space<hbm>>
      tpu.enqueue_dma source(%dma_start3A_183 : memref<512x1024xf32, #tpu.memory_space<hbm>>) target(%arg4 : memref<512x1024xf32, #tpu.memory_space<vmem_shared>>) target_semaphore(%arg6 : memref<!tpu.dma_semaphore, #tpu.memory_space<semaphore_mem>>)
      %add3A_184 = arith.constant 5632 : i32
      %add3A_185 = arith.addi %mul3A_0, %add3A_184 : i32
      %dma_start3A_186 = arith.constant 0 : i32
      %dma_start3A_187 = tpu.memref_slice %arg3[%add3A_185, %dma_start3A_186] : memref<16384x1024xf32, #tpu.memory_space<hbm>> -> memref<512x1024xf32, #tpu.memory_space<hbm>>
      tpu.enqueue_dma source(%arg5 : memref<512x1024xf32, #tpu.memory_space<vmem_shared>>) target(%dma_start3A_187 : memref<512x1024xf32, #tpu.memory_space<hbm>>) target_semaphore(%arg9 : memref<!tpu.dma_semaphore, #tpu.memory_space<semaphore_mem>>)
      %add3A_188 = arith.constant 6144 : i32
      %add3A_189 = arith.addi %mul3A_0, %add3A_188 : i32
      %dma_wait3A_190 = arith.constant 0 : i32
      %dma_wait3A_191 = tpu.memref_slice %arg2[%add3A_189, %dma_wait3A_190] : memref<16384x1024xf32, #tpu.memory_space<hbm>> -> memref<512x1024xf32, #tpu.memory_space<hbm>>
      tpu.wait_dma2 semaphore(%arg6 : memref<!tpu.dma_semaphore, #tpu.memory_space<semaphore_mem>>) src(%dma_wait3A_191 : memref<512x1024xf32, #tpu.memory_space<hbm>>) dst(%arg4 : memref<512x1024xf32, #tpu.memory_space<vmem_shared>>)
      %add3A_192 = arith.constant 5120 : i32
      %add3A_193 = arith.addi %mul3A_0, %add3A_192 : i32
      %dma_wait3A_194 = arith.constant 0 : i32
      %dma_wait3A_195 = tpu.memref_slice %arg3[%add3A_193, %dma_wait3A_194] : memref<16384x1024xf32, #tpu.memory_space<hbm>> -> memref<512x1024xf32, #tpu.memory_space<hbm>>
      tpu.wait_dma2 semaphore(%arg8 : memref<!tpu.dma_semaphore, #tpu.memory_space<semaphore_mem>>) src(%arg4 : memref<512x1024xf32, #tpu.memory_space<vmem_shared>>) dst(%dma_wait3A_195 : memref<512x1024xf32, #tpu.memory_space<hbm>>)
      %add3A_196 = arith.constant 6656 : i32
      %add3A_197 = arith.addi %mul3A_0, %add3A_196 : i32
      %dma_start3A_198 = arith.constant 0 : i32
      %dma_start3A_199 = tpu.memref_slice %arg2[%add3A_197, %dma_start3A_198] : memref<16384x1024xf32, #tpu.memory_space<hbm>> -> memref<512x1024xf32, #tpu.memory_space<hbm>>
      tpu.enqueue_dma source(%dma_start3A_199 : memref<512x1024xf32, #tpu.memory_space<hbm>>) target(%arg5 : memref<512x1024xf32, #tpu.memory_space<vmem_shared>>) target_semaphore(%arg7 : memref<!tpu.dma_semaphore, #tpu.memory_space<semaphore_mem>>)
      %add3A_200 = arith.constant 6144 : i32
      %add3A_201 = arith.addi %mul3A_0, %add3A_200 : i32
      %dma_start3A_202 = arith.constant 0 : i32
      %dma_start3A_203 = tpu.memref_slice %arg3[%add3A_201, %dma_start3A_202] : memref<16384x1024xf32, #tpu.memory_space<hbm>> -> memref<512x1024xf32, #tpu.memory_space<hbm>>
      tpu.enqueue_dma source(%arg4 : memref<512x1024xf32, #tpu.memory_space<vmem_shared>>) target(%dma_start3A_203 : memref<512x1024xf32, #tpu.memory_space<hbm>>) target_semaphore(%arg8 : memref<!tpu.dma_semaphore, #tpu.memory_space<semaphore_mem>>)
      %add3A_204 = arith.constant 6656 : i32
      %add3A_205 = arith.addi %mul3A_0, %add3A_204 : i32
      %dma_wait3A_206 = arith.constant 0 : i32
      %dma_wait3A_207 = tpu.memref_slice %arg2[%add3A_205, %dma_wait3A_206] : memref<16384x1024xf32, #tpu.memory_space<hbm>> -> memref<512x1024xf32, #tpu.memory_space<hbm>>
      tpu.wait_dma2 semaphore(%arg7 : memref<!tpu.dma_semaphore, #tpu.memory_space<semaphore_mem>>) src(%dma_wait3A_207 : memref<512x1024xf32, #tpu.memory_space<hbm>>) dst(%arg5 : memref<512x1024xf32, #tpu.memory_space<vmem_shared>>)
      %add3A_208 = arith.constant 5632 : i32
      %add3A_209 = arith.addi %mul3A_0, %add3A_208 : i32
      %dma_wait3A_210 = arith.constant 0 : i32
      %dma_wait3A_211 = tpu.memref_slice %arg3[%add3A_209, %dma_wait3A_210] : memref<16384x1024xf32, #tpu.memory_space<hbm>> -> memref<512x1024xf32, #tpu.memory_space<hbm>>
      tpu.wait_dma2 semaphore(%arg9 : memref<!tpu.dma_semaphore, #tpu.memory_space<semaphore_mem>>) src(%arg5 : memref<512x1024xf32, #tpu.memory_space<vmem_shared>>) dst(%dma_wait3A_211 : memref<512x1024xf32, #tpu.memory_space<hbm>>)
      %add3A_212 = arith.constant 7168 : i32
      %add3A_213 = arith.addi %mul3A_0, %add3A_212 : i32
      %dma_start3A_214 = arith.constant 0 : i32
      %dma_start3A_215 = tpu.memref_slice %arg2[%add3A_213, %dma_start3A_214] : memref<16384x1024xf32, #tpu.memory_space<hbm>> -> memref<512x1024xf32, #tpu.memory_space<hbm>>
      tpu.enqueue_dma source(%dma_start3A_215 : memref<512x1024xf32, #tpu.memory_space<hbm>>) target(%arg4 : memref<512x1024xf32, #tpu.memory_space<vmem_shared>>) target_semaphore(%arg6 : memref<!tpu.dma_semaphore, #tpu.memory_space<semaphore_mem>>)
      %add3A_216 = arith.constant 6656 : i32
      %add3A_217 = arith.addi %mul3A_0, %add3A_216 : i32
      %dma_start3A_218 = arith.constant 0 : i32
      %dma_start3A_219 = tpu.memref_slice %arg3[%add3A_217, %dma_start3A_218] : memref<16384x1024xf32, #tpu.memory_space<hbm>> -> memref<512x1024xf32, #tpu.memory_space<hbm>>
      tpu.enqueue_dma source(%arg5 : memref<512x1024xf32, #tpu.memory_space<vmem_shared>>) target(%dma_start3A_219 : memref<512x1024xf32, #tpu.memory_space<hbm>>) target_semaphore(%arg9 : memref<!tpu.dma_semaphore, #tpu.memory_space<semaphore_mem>>)
      %add3A_220 = arith.constant 7168 : i32
      %add3A_221 = arith.addi %mul3A_0, %add3A_220 : i32
      %dma_wait3A_222 = arith.constant 0 : i32
      %dma_wait3A_223 = tpu.memref_slice %arg2[%add3A_221, %dma_wait3A_222] : memref<16384x1024xf32, #tpu.memory_space<hbm>> -> memref<512x1024xf32, #tpu.memory_space<hbm>>
      tpu.wait_dma2 semaphore(%arg6 : memref<!tpu.dma_semaphore, #tpu.memory_space<semaphore_mem>>) src(%dma_wait3A_223 : memref<512x1024xf32, #tpu.memory_space<hbm>>) dst(%arg4 : memref<512x1024xf32, #tpu.memory_space<vmem_shared>>)
      %add3A_224 = arith.constant 6144 : i32
      %add3A_225 = arith.addi %mul3A_0, %add3A_224 : i32
      %dma_wait3A_226 = arith.constant 0 : i32
      %dma_wait3A_227 = tpu.memref_slice %arg3[%add3A_225, %dma_wait3A_226] : memref<16384x1024xf32, #tpu.memory_space<hbm>> -> memref<512x1024xf32, #tpu.memory_space<hbm>>
      tpu.wait_dma2 semaphore(%arg8 : memref<!tpu.dma_semaphore, #tpu.memory_space<semaphore_mem>>) src(%arg4 : memref<512x1024xf32, #tpu.memory_space<vmem_shared>>) dst(%dma_wait3A_227 : memref<512x1024xf32, #tpu.memory_space<hbm>>)
      %add3A_228 = arith.constant 7680 : i32
      %add3A_229 = arith.addi %mul3A_0, %add3A_228 : i32
      %dma_start3A_230 = arith.constant 0 : i32
      %dma_start3A_231 = tpu.memref_slice %arg2[%add3A_229, %dma_start3A_230] : memref<16384x1024xf32, #tpu.memory_space<hbm>> -> memref<512x1024xf32, #tpu.memory_space<hbm>>
      tpu.enqueue_dma source(%dma_start3A_231 : memref<512x1024xf32, #tpu.memory_space<hbm>>) target(%arg5 : memref<512x1024xf32, #tpu.memory_space<vmem_shared>>) target_semaphore(%arg7 : memref<!tpu.dma_semaphore, #tpu.memory_space<semaphore_mem>>)
      %add3A_232 = arith.constant 7168 : i32
      %add3A_233 = arith.addi %mul3A_0, %add3A_232 : i32
      %dma_start3A_234 = arith.constant 0 : i32
      %dma_start3A_235 = tpu.memref_slice %arg3[%add3A_233, %dma_start3A_234] : memref<16384x1024xf32, #tpu.memory_space<hbm>> -> memref<512x1024xf32, #tpu.memory_space<hbm>>
      tpu.enqueue_dma source(%arg4 : memref<512x1024xf32, #tpu.memory_space<vmem_shared>>) target(%dma_start3A_235 : memref<512x1024xf32, #tpu.memory_space<hbm>>) target_semaphore(%arg8 : memref<!tpu.dma_semaphore, #tpu.memory_space<semaphore_mem>>)
      %add3A_236 = arith.constant 7680 : i32
      %add3A_237 = arith.addi %mul3A_0, %add3A_236 : i32
      %dma_wait3A_238 = arith.constant 0 : i32
      %dma_wait3A_239 = tpu.memref_slice %arg2[%add3A_237, %dma_wait3A_238] : memref<16384x1024xf32, #tpu.memory_space<hbm>> -> memref<512x1024xf32, #tpu.memory_space<hbm>>
      tpu.wait_dma2 semaphore(%arg7 : memref<!tpu.dma_semaphore, #tpu.memory_space<semaphore_mem>>) src(%dma_wait3A_239 : memref<512x1024xf32, #tpu.memory_space<hbm>>) dst(%arg5 : memref<512x1024xf32, #tpu.memory_space<vmem_shared>>)
      %add3A_240 = arith.constant 6656 : i32
      %add3A_241 = arith.addi %mul3A_0, %add3A_240 : i32
      %dma_wait3A_242 = arith.constant 0 : i32
      %dma_wait3A_243 = tpu.memref_slice %arg3[%add3A_241, %dma_wait3A_242] : memref<16384x1024xf32, #tpu.memory_space<hbm>> -> memref<512x1024xf32, #tpu.memory_space<hbm>>
      tpu.wait_dma2 semaphore(%arg9 : memref<!tpu.dma_semaphore, #tpu.memory_space<semaphore_mem>>) src(%arg5 : memref<512x1024xf32, #tpu.memory_space<vmem_shared>>) dst(%dma_wait3A_243 : memref<512x1024xf32, #tpu.memory_space<hbm>>)
      %add3A_244 = arith.constant 7680 : i32
      %add3A_245 = arith.addi %mul3A_0, %add3A_244 : i32
      %dma_start3A_246 = arith.constant 0 : i32
      %dma_start3A_247 = tpu.memref_slice %arg3[%add3A_245, %dma_start3A_246] : memref<16384x1024xf32, #tpu.memory_space<hbm>> -> memref<512x1024xf32, #tpu.memory_space<hbm>>
      tpu.enqueue_dma source(%arg5 : memref<512x1024xf32, #tpu.memory_space<vmem_shared>>) target(%dma_start3A_247 : memref<512x1024xf32, #tpu.memory_space<hbm>>) target_semaphore(%arg9 : memref<!tpu.dma_semaphore, #tpu.memory_space<semaphore_mem>>)
      %add3A_248 = arith.constant 7168 : i32
      %add3A_249 = arith.addi %mul3A_0, %add3A_248 : i32
      %dma_wait3A_250 = arith.constant 0 : i32
      %dma_wait3A_251 = tpu.memref_slice %arg3[%add3A_249, %dma_wait3A_250] : memref<16384x1024xf32, #tpu.memory_space<hbm>> -> memref<512x1024xf32, #tpu.memory_space<hbm>>
      tpu.wait_dma2 semaphore(%arg8 : memref<!tpu.dma_semaphore, #tpu.memory_space<semaphore_mem>>) src(%arg4 : memref<512x1024xf32, #tpu.memory_space<vmem_shared>>) dst(%dma_wait3A_251 : memref<512x1024xf32, #tpu.memory_space<hbm>>)
      %add3A_252 = arith.constant 7680 : i32
      %add3A_253 = arith.addi %mul3A_0, %add3A_252 : i32
      %dma_wait3A_254 = arith.constant 0 : i32
      %dma_wait3A_255 = tpu.memref_slice %arg3[%add3A_253, %dma_wait3A_254] : memref<16384x1024xf32, #tpu.memory_space<hbm>> -> memref<512x1024xf32, #tpu.memory_space<hbm>>
      tpu.wait_dma2 semaphore(%arg9 : memref<!tpu.dma_semaphore, #tpu.memory_space<semaphore_mem>>) src(%arg5 : memref<512x1024xf32, #tpu.memory_space<vmem_shared>>) dst(%dma_wait3A_255 : memref<512x1024xf32, #tpu.memory_space<hbm>>)
    } else {
    }
    return
  }
}

module attributes {stable_mosaic.version = 14 : i64} {
  func.func @_tc_body(%arg0: i32, %arg1: memref<1024x1024xf32, #tpu.memory_space<vmem>>, %arg2: memref<1024x128xf32, #tpu.memory_space<vmem>>, %arg3: memref<1x128xf32, #tpu.memory_space<vmem>>, %arg4: memref<1024x1024xf32, #tpu.memory_space<vmem>>, %arg5: memref<1024x1024xf32, #tpu.memory_space<vmem>>) attributes {dimension_semantics = [#tpu.dimension_semantics<arbitrary>], iteration_bounds = array<i64: 16>, scalar_prefetch = 0 : i64, scratch_operands = 0 : i64, tpu.core_type = #tpu.core_type<tc>, window_params = [{transform_indices = @transform_0, window_bounds = array<i64: 1024, 1024>}, {pipeline_mode = #tpu.pipeline_mode<synchronous>, transform_indices = @transform_1, window_bounds = array<i64: 1024, 128>}, {pipeline_mode = #tpu.pipeline_mode<synchronous>, transform_indices = @transform_2, window_bounds = array<i64: 1, 128>}, {transform_indices = @transform_3, window_bounds = array<i64: 1024, 1024>}, {transform_indices = @transform_4, window_bounds = array<i64: 1024, 1024>}]} {
    %get3A = arith.constant 0 : index
    %get3A_0 = arith.constant 0 : index
    %get3A_1 = vector.load %arg1[%get3A, %get3A_0] : memref<1024x1024xf32, #tpu.memory_space<vmem>>, vector<1024x1024xf32>
    %get3A_2 = arith.constant 0 : index
    %get3A_3 = arith.constant 0 : index
    %get3A_4 = vector.load %arg2[%get3A_2, %get3A_3] : memref<1024x128xf32, #tpu.memory_space<vmem>>, vector<1024x128xf32>
    %dot_general3A = arith.constant dense<0.000000e+00> : vector<1024x128xf32>
    %dot_general3A_5 = tpu.matmul %get3A_1, %get3A_4, %dot_general3A {dimension_numbers = #tpu.dot_dimension_numbers<[1], [0], [0], [1], [0, 0, 1, 1], [], []>, transpose_lhs_hint = false} : vector<1024x1024xf32>, vector<1024x128xf32>, vector<1024x128xf32> -> vector<1024x128xf32>
    %get3A_6 = arith.constant 0 : index
    %get3A_7 = arith.constant 0 : index
    %get3A_8 = vector.load %arg3[%get3A_6, %get3A_7] : memref<1x128xf32, #tpu.memory_space<vmem>>, vector<1x128xf32>
    %add3A = vector.broadcast %get3A_8 : vector<1x128xf32> to vector<1024x128xf32>
    %add3A_9 = arith.addf %dot_general3A_5, %add3A : vector<1024x128xf32>
    %slice3A = vector.extract_strided_slice %add3A_9 {offsets = [0, 0], sizes = [1024, 1], strides = [1, 1]} : vector<1024x128xf32> to vector<1024x1xf32>
    %gt3A = arith.constant 0.000000e+00 : f32
    %gt3A_10 = vector.broadcast %gt3A : f32 to vector<1024x1xf32>
    %gt3A_11 = arith.cmpf ogt, %slice3A, %gt3A_10 : vector<1024x1xf32>
    %convert_element_type3A = arith.extui %gt3A_11 : vector<1024x1xi1> to vector<1024x1xi32>
    %convert_element_type3A_12 = arith.sitofp %convert_element_type3A : vector<1024x1xi32> to vector<1024x1xf32>
    %slice3A_13 = vector.extract_strided_slice %add3A_9 {offsets = [0, 1], sizes = [1024, 1], strides = [1, 1]} : vector<1024x128xf32> to vector<1024x1xf32>
    %gt3A_14 = arith.constant 0.000000e+00 : f32
    %gt3A_15 = vector.broadcast %gt3A_14 : f32 to vector<1024x1xf32>
    %gt3A_16 = arith.cmpf ogt, %slice3A_13, %gt3A_15 : vector<1024x1xf32>
    %convert_element_type3A_17 = arith.extui %gt3A_16 : vector<1024x1xi1> to vector<1024x1xi32>
    %convert_element_type3A_18 = arith.sitofp %convert_element_type3A_17 : vector<1024x1xi32> to vector<1024x1xf32>
    %mul3A = vector.broadcast %convert_element_type3A_18 : vector<1024x1xf32> to vector<1024x1024xf32>
    %mul3A_19 = arith.mulf %get3A_1, %mul3A : vector<1024x1024xf32>
    %swap3A = arith.constant 0 : index
    %swap3A_20 = arith.constant 0 : index
    %swap3A_21 = vector.load %arg4[%swap3A, %swap3A_20] : memref<1024x1024xf32, #tpu.memory_space<vmem>>, vector<1024x1024xf32>
    tpu.vector_store %arg4[%swap3A, %swap3A_20], %mul3A_19 {strides = array<i32>} : memref<1024x1024xf32, #tpu.memory_space<vmem>>, vector<1024x1024xf32>,
    %mul3A_22 = vector.broadcast %convert_element_type3A_12 : vector<1024x1xf32> to vector<1024x1024xf32>
    %mul3A_23 = arith.mulf %get3A_1, %mul3A_22 : vector<1024x1024xf32>
    %add3A_24 = arith.addf %mul3A_23, %mul3A_19 : vector<1024x1024xf32>
    %swap3A_25 = arith.constant 0 : index
    %swap3A_26 = arith.constant 0 : index
    %swap3A_27 = vector.load %arg5[%swap3A_25, %swap3A_26] : memref<1024x1024xf32, #tpu.memory_space<vmem>>, vector<1024x1024xf32>
    tpu.vector_store %arg5[%swap3A_25, %swap3A_26], %add3A_24 {strides = array<i32>} : memref<1024x1024xf32, #tpu.memory_space<vmem>>, vector<1024x1024xf32>,
    return
  }
  func.func @transform_0(%arg0: i32) -> (i32, i32) {
    %c0_i32 = arith.constant 0 : i32
    %c0_i32_0 = arith.constant 0 : i32
    return %arg0, %c0_i32 : i32, i32
  }
  func.func @transform_1(%arg0: i32) -> (i32, i32) {
    %c0_i32 = arith.constant 0 : i32
    %c0_i32_0 = arith.constant 0 : i32
    %c0_i32_1 = arith.constant 0 : i32
    return %c0_i32, %c0_i32_0 : i32, i32
  }
  func.func @transform_2(%arg0: i32) -> (i32, i32) {
    %c0_i32 = arith.constant 0 : i32
    %c0_i32_0 = arith.constant 0 : i32
    %c0_i32_1 = arith.constant 0 : i32
    return %c0_i32, %c0_i32_0 : i32, i32
  }
  func.func @transform_3(%arg0: i32) -> (i32, i32) {
    %c0_i32 = arith.constant 0 : i32
    %c0_i32_0 = arith.constant 0 : i32
    return %arg0, %c0_i32 : i32, i32
  }
  func.func @transform_4(%arg0: i32) -> (i32, i32) {
    %c0_i32 = arith.constant 0 : i32
    %c0_i32_0 = arith.constant 0 : i32
    return %arg0, %c0_i32 : i32, i32
  }
}

</mosaic_0001>

<sc_bundles>
// kernel: kernel.4.cloned.1.call-start
scs
__scs_entry_jumppad:
0x0: {  	(pc) =	sbr.rel $0x88, $3  }
0x1: {  	(tag) =	ssettag $0x0;
	lr =	simm.s32 $0x1  }
0x2: {  	[smem:$0x3F9E] =	sst lr;
	_ =	strace $0xD0000000  }
0x3: {  	_ = 	snop  }
0x4: {  	_ = 	snop  }
0x5: {  	_ = 	snop  }
0x6: {  	_ = 	snop  }
0x7: {  	_ = 	snop  }
__scs_overlays_trampoline_lowered:
0x8: {  	[smem:$0x3FAD] =	sst s0  }
0x9: {  	[smem:$0x3FAE] =	sst s1  }
0xa: {  	[smem:$0x3FAF] =	sst s2  }
0xb: {  	[smem:$0x3FB0] =	sst s3  }
0xc: {  	[smem:$0x3FB1] =	sst s4  }
0xd: {  	[smem:$0x3FB2] =	sst s5  }
0xe: {  	[smem:$0x3FB3] =	sst s6  }
0xf: {  	[smem:$0x3FB4] =	sst s7  }
0x10: {  	[smem:$0x3FB5] =	sst s8  }
0x11: {  	[smem:$0x3FB6] =	sst s9;
	s0 =	simm.s32 @!p0 $0x0  }
0x12: {  	s1 =	sld [smem:$0x3F9C];
	s0 =	simm.s32 @p0 $0x1  }
0x13: {  	[smem:$0x3FB7] =	sst s0;
	s0 =	simm.s32 @!p1 $0x0  }
0x14: {  	s2 =	sld [smem:$0x3F9B];
	s0 =	simm.s32 @p1 $0x1  }
0x15: {  	[smem:$0x3FB8] =	sst s0;
	s0 =	simm.s32 @!p2 $0x0  }
0x16: {  	s3 =	sld [smem:$0x3FDB];
	s0 =	simm.s32 @p2 $0x1  }
0x17: {  	s4 =	simm.s32 $0x1BF5;
	[smem:$0x3FBA] =	sst s0  }
0x18: {  	s0 =	sld [smem:$0x3F9D];
	_ =	swait.ge [sflag:s4], $0x0  }
0x19: {  	s7 =	sld [smem:$0x3F9E]  }
0x1a: {  	s8 =	sadd.s32 $0xFFFFE003, lr  }
0x1b: {  	s9 =	sadd.s32 $0xFFFFFEF7, lr;
	s5 =	simm.s32 $0xFFFFFFFF;
	p2 =	slt.u32 s8, $0xFFFFF086  }
0x1c: {  	p1 =	slt.u32 s9, $0xF7A;
	s5 =	simm.s32 @!p2 $0x0  }
0x1d: {  	s5 =	simm.s32 @p1 $0x1;
	p0 =	seq.s32 s7, s2  }
0x1e: {  	s7 =	smul.u32 @!p0 $0xF7A, s2;
	p2 =	seq.s32 @!p0 s5, $0x0  }
0x1f: {  	s9 =	smul.u32 $0xF7A, s1;
	s8 =	simm.s32 @!p0 $0x1BF5;
	p2 =	por !p2, p0  }
0x20: {  	[sflag:s8] =	ssyncset.s32 @!p0 $0xFFFFF086;
	s6 =	sadd.s32 @!p0 s3, s7;
	s7 =	simm.s32 @!p0 $0x108  }
0x21: {  	s3 =	sadd.s32 s3, s9;
	s6 =	sadd.s32 @!p0 $0x88, s6;
	s7 =	simm.s32 @p2 $0x1082  }
0x22: {  	[simem:s7], [sflag:s8] =	dma.local @!p0 [hbm:s6], $0xF7A  }
0x23: {  	s9 =	sor.u32 $0xD0000000, s2;
	s6 =	simm.s32 $0x108;
	_ =	swait.ge @!p0 [sflag:s8], $0x0  }
0x24: {  	s3 =	sadd.s32 $0x88, s3;
	s6 =	simm.s32 @!p1 $0x1082;
	[sflag:s4] =	ssyncset.s32 $0xFFFFF086  }
0x25: {  	[simem:s6], [sflag:s4] =	dma.local [hbm:s3], $0xF7A  }
0x26: {  	[smem:$0x3F9E] =	sst s1;
	(tag) =	ssettag s2;
	_ =	strace s9  }
0x27: {  	s1 =	sld [smem:$0x3FAE]  }
0x28: {  	s2 =	sld [smem:$0x3FAF]  }
0x29: {  	s4 =	sld [smem:$0x3FB1]  }
0x2a: {  	p0 =	seq.s32 s5, $0x0;
	s5 =	sld [smem:$0x3FB2]  }
0x2b: {  	s6 =	sld [smem:$0x3FB3]  }
0x2c: {  	s7 =	sld [smem:$0x3FB4]  }
0x2d: {  	s3 =	simm.s32 $0x108;
	s8 =	sld [smem:$0x3FB5]  }
0x2e: {  	s3 =	simm.s32 @!p0 $0x1082;
	s9 =	sld [smem:$0x3FB6]  }
0x2f: {  	lr =	sadd.s32 s0, s3;
	s0 =	sld [smem:$0x3FAD]  }
0x30: {  	s3 =	sld [smem:$0x3FB0]  }
0x31: {  	[smem:$0x3FB9] =	sst s10  }
0x32: {  	s10 =	sld [smem:$0x3FB7];
	_ =	sdelay $0x3  }
0x33: {  	p0 =	seq.s32 s10, $0x1;
	s10 =	sld [smem:$0x3FB9];
	_ =	sdelay $0x3  }
0x34: {  	[smem:$0x3FB9] =	sst s10  }
0x35: {  	s10 =	sld [smem:$0x3FB8];
	_ =	sdelay $0x3  }
0x36: {  	p1 =	seq.s32 s10, $0x1;
	s10 =	sld [smem:$0x3FB9];
	_ =	sdelay $0x3  }
0x37: {  	[smem:$0x3FB9] =	sst s10  }
0x38: {  	s10 =	sld [smem:$0x3FBA]  }
0x39: {  	_ = 	snop;
	(pc) =	sbr.ind lr, $3  }
0x3a: {  	_ = 	snop  }
0x3b: {  	_ = 	snop  }
0x3c: {  	p2 =	seq.s32 s10, $0x1;
	s10 =	sld [smem:$0x3FB9]  }
0x3d: {  	_ =	shalt  }
0x3e: {  	_ =	shalt  }
0x3f: {  	_ =	shalt  }
0x40: {  	_ =	shalt  }
0x41: {  	_ =	shalt  }
0x42: {  	_ =	shalt  }
0x43: {  	_ =	shalt  }
0x44: {  	_ =	shalt  }
0x45: {  	_ =	shalt  }
0x46: {  	_ =	shalt  }
0x47: {  	_ =	shalt  }
0x48: {  	_ =	shalt  }
0x49: {  	_ =	shalt  }
0x4a: {  	_ =	shalt  }
0x4b: {  	_ =	shalt  }
0x4c: {  	_ =	shalt  }
0x4d: {  	_ =	shalt  }
0x4e: {  	_ =	shalt  }
0x4f: {  	_ =	shalt  }
0x50: {  	_ =	shalt  }
0x51: {  	_ =	shalt  }
0x52: {  	_ =	shalt  }
0x53: {  	_ =	shalt  }
0x54: {  	_ =	shalt  }
0x55: {  	_ =	shalt  }
0x56: {  	_ =	shalt  }
0x57: {  	_ =	shalt  }
0x58: {  	_ =	shalt  }
0x59: {  	_ =	shalt  }
0x5a: {  	_ =	shalt  }
0x5b: {  	_ =	shalt  }
0x5c: {  	_ =	shalt  }
0x5d: {  	_ =	shalt  }
0x5e: {  	_ =	shalt  }
0x5f: {  	_ =	shalt  }
0x60: {  	_ =	shalt  }
0x61: {  	_ =	shalt  }
0x62: {  	_ =	shalt  }
0x63: {  	_ =	shalt  }
0x64: {  	_ =	shalt  }
0x65: {  	_ =	shalt  }
0x66: {  	_ =	shalt  }
0x67: {  	_ =	shalt  }
0x68: {  	_ =	shalt  }
0x69: {  	_ =	shalt  }
0x6a: {  	_ =	shalt  }
0x6b: {  	_ =	shalt  }
0x6c: {  	_ =	shalt  }
0x6d: {  	_ =	shalt  }
0x6e: {  	_ =	shalt  }
0x6f: {  	_ =	shalt  }
0x70: {  	_ =	shalt  }
0x71: {  	_ =	shalt  }
0x72: {  	_ =	shalt  }
0x73: {  	_ =	shalt  }
0x74: {  	_ =	shalt  }
0x75: {  	_ =	shalt  }
0x76: {  	_ =	shalt  }
0x77: {  	_ =	shalt  }
0x78: {  	_ =	shalt  }
0x79: {  	_ =	shalt  }
0x7a: {  	_ =	shalt  }
0x7b: {  	_ =	shalt  }
0x7c: {  	_ =	shalt  }
0x7d: {  	_ =	shalt  }
0x7e: {  	_ =	shalt  }
0x7f: {  	_ =	shalt  }
0x80: {  	_ =	shalt  }
0x81: {  	_ =	shalt  }
0x82: {  	_ =	shalt  }
0x83: {  	_ =	shalt  }
0x84: {  	_ =	shalt  }
0x85: {  	_ =	shalt  }
0x86: {  	_ =	shalt  }
0x87: {  	_ =	shalt  }
.Lfunc_end0:
.L_simem_size_0:
called_computation_lowered:
.L_overlay_start_0:
0x88: {  	s2 =	sld [smem:$0x3FD9]  }
0x89: {  	s3 =	sld [smem:$0x3FFE];
	_ =	sdelay $0x1  }
0x8a: {  	s1 =	srdreg.scid  }
0x8b: {  	s0 =	sand.u32 $0x1, s1  }
0x8c: {  	s15 =	sshll.u32 s0, $0xA;
	s2 =	sadd.s32 s3, s2  }
0x8d: {  	s2 =	sadd.s32 s2, s15  }
0x8e: {  	[smem:$0x3FC5] =	sst s2  }
0x8f: {  	_ = 	snop  }
0x90: {  	s2 =	sld [smem:$0x3FD0];
	_ =	sdelay $0x2  }
0x91: {  	s4 =	simm.s32 $0xA;
	s5 =	simm.s32 $0x10;
	s16 =	sld [smem:$0x3FC9]  }
0x92: {  	[smem:s5], [sflag:s4] =	dma.local [hbm:s2], $0x1  }
0x93: {  	_ =	swait.eq [sflag:s4], $0x1  }
0x94: {  	[sflag:s4] =	ssyncset.done $0x0  }
0x95: {  	[sflag:s4] =	ssyncadd.s32 $0xFFFFFFFF  }
0x96: {  	s17 =	sld [smem:$0x10];
	(tm) =	ssettm $0x1  }
0x97: {  	s18 =	sld [smem:$0x3FFB];
	_ =	sdelay $0x3  }
0x98: {  	_ =	strace s18  }
0x99: {  	s4 =	sld [smem:$0x3FFC];
	_ =	sdelay $0x3  }
0x9a: {  	_ =	strace s4  }
0x9b: {  	s4 =	sld [smem:$0x3FFD];
	_ =	sdelay $0x3  }
0x9c: {  	_ =	strace s4  }
0x9d: {  	_ =	strace $0x8FFFFFFF  }
0x9e: {  	s19 =	sld [smem:$0x3FDB];
	_ =	sdelay $0x1  }
0x9f: {  	s20 =	simm.s32 $_scs_section_size  }
0xa0: {  	s6 =	simm.s32 $_size__tile_overlayer_lowered;
	s7 =	simm.s32 $_tile_overlayer_lowered  }
0xa1: {  	s23 =	simm.s32 $0x1BFF;
	s22 =	sshll.u32 s7, $0x1;
	s4 =	sadd.s32 s20, s19  }
0xa2: {  	s8 =	simm.s32 $0x0;
	s21 =	sshll.u32 s6, $0x1;
	s6 =	sadd.s32 s22, s4  }
0xa3: {  	[timem:s8], [sflag:s23] =	dma.local [hbm:s6], s21  }
0xa4: {  	_ =	swait.ge [sflag:s23], s21  }
0xa5: {  	s5 =	ssub.s32 $0x0, s21;
	[sflag:s23] =	ssyncset.done $0x0  }
0xa6: {  	[sflag:s23] =	ssyncadd.s32 s5;
	_ =	sdelay $0x1  }
0xa7: {  	s24 =	simm.s32 $0x1B8B  }
0xa8: {  	_ =	swait.ge [sflag:s24], $0x1  }
0xa9: {  	[sflag:s24] =	ssyncset.done $0x0  }
0xaa: {  	s25 =	simm.s32 $0x1B8E;
	[sflag:s24] =	ssyncadd.s32 $0xFFFFFFFF  }
0xab: {  	s26 =	simm.s32 $execute0_lowered;
	[smem:$0x3FD2] =	sst s25  }
0xac: {  	s5 =	sshll.u32 s26, $0x1;
	_ =	strace $0x80000046;
	[dreg:$0x1] =	wrdreg $0xFFFFFFFF  }
0xad: {  	s28 =	simm.s32 $_size_execute0_lowered;
	s4 =	sadd.s32 s4, s5;
	[dreg:$0x0] =	wrdreg $0x0  }
0xae: {  	s5 =	sshll.u32 s28, $0x1;
	[dreg:$0x2] =	wrdreg s4  }
0xaf: {  	[dreg:$0x3] =	wrdreg s5  }
0xb0: {  	[dreg:$0x4] =	wrdreg $0xC0  }
0xb1: {  	_ =	task [dreg:s8], $0x5FFFF  }
0xb2: {  	[dreg:$0x1] =	wrdreg $0xFFFFFFFF  }
0xb3: {  	[dreg:$0x0] =	wrdreg $0x60  }
0xb4: {  	[dreg:$0x2] =	wrdreg s16  }
0xb5: {  	[dreg:$0x3] =	wrdreg s17  }
0xb6: {  	[dreg:$0x4] =	wrdreg $0x0  }
0xb7: {  	[dreg:$0x5] =	wrdreg $0x80000  }
0xb8: {  	[dreg:$0x6] =	wrdreg $0x9  }
0xb9: {  	_ =	task.clear_ibuf [dreg:s8], $0x7FFFF;
	_ =	strace $0x90000046  }
0xba: {  	s29 =	simm.s32 $0x9;
	_ =	strace $0x80000048  }
0xbb: {  	_ =	swait.ge [sflag:s29], $0x1  }
0xbc: {  	[sflag:s29] =	ssyncadd.s32 $0xFFFFFFFF  }
0xbd: {  	_ =	strace $0x90000048  }
0xbe: {  	_ =	sfence  }
0xbf: {  	s30 =	sld [smem:$0x0];
	_ =	sdelay $0x2  }
0xc0: {  	s31 =	sshll.u32 s1, $0xD;
	s1 =	sshrl.u32 s1, $0x2  }
0xc1: {  	s3 =	sand.u32 $0x4000, s31;
	s1 =	sadd.s32 s1, s30  }
0xc2: {  	s0 =	sor.u32 s3, s0;
	s1 =	sshll.u32 s1, $0x11  }
0xc3: {  	s0 =	sor.u32 s1, s0  }
0xc4: {  	s0 =	sadd.s32 $0x8F2B, s0  }
0xc5: {  	[sflag:s0] =	ssyncadd.remote.s32 $0x1  }
0xc6: {  	_ =	sfence.sel $0xFFFF  }
0xc7: {  	[dreg:$0x0] =	wrdreg $0xFFFFFFFF;
	(pc) =	sbr.abs _section_cstart, $3  }
0xc8: {  	[dreg:$0x1] =	wrdreg $0xFFFFFFFF  }
0xc9: {  	_ =	task.clear_ibuf [dreg:s8], $0x2FFFF;
	_ =	strace $0x9FFFFFFF  }
0xca: {  	(tm) =	ssettm $0x7FFFFFFF  }
0xcb: {  	_ =	shalt  }
tec
execute0_lowered:
.L_overlay_start_1:
0x0: {  	(tag) =	ssettag $0x1  }
0x1: {  	s2 =	stileid.u32  }
0x2: {  	s28 =	rddreg [dreg:$0x0];
	p0 =	sne.s32 s2, $0x0  }
.Ltmp0:
0x3: {  	s31 =	rddreg [dreg:$0x1];
	(pc) =	sbr.rel @p0 .LBB2_4-.Ltmp0, $4  }
0x4: {  	s3 =	rddreg [dreg:$0x2]  }
0x5: {  	s5 =	rddreg [dreg:$0x3];
	s1 =	simm.s32 $0x0  }
0x6: {  	[smem:$0x7FF] =	sst s1  }
0x7: {  	s0 =	rddreg [dreg:$0x4];
	_ =	strace $0x80000047  }
0x8: {  	s1 =	srdreg.scid  }
0x9: {  	s0 =	sand.u32 $0x1, s1  }
0xa: {  	s29 =	sshll.u32 s0, $0x14  }
0xb: {  	[dreg:$0x12] =	wrdreg s0;
	s8 =	sor.u32 $0x10000, s29;
	s9 =	sadd.s32 s31, s29  }
0xc: {  	s4 =	sor.u32 $0x20000, s29;
	s2 =	sadd.s32 s28, s8;
	[dreg:$0x6] =	wrdreg s9  }
0xd: {  	s10 =	sadd.s32 s28, s4;
	[dreg:$0x5] =	wrdreg s2  }
0xe: {  	s11 =	sor.u32 $0x30000, s29;
	s1 =	sadd.s32 s31, s8;
	[dreg:$0x7] =	wrdreg s10  }
0xf: {  	s12 =	sadd.s32 s28, s11;
	[dreg:$0x8] =	wrdreg s1  }
0x10: {  	s14 =	sor.u32 $0x40000, s29;
	s13 =	sadd.s32 s31, s4;
	[dreg:$0x9] =	wrdreg s12  }
0x11: {  	s15 =	sadd.s32 s28, s14;
	[dreg:$0xa] =	wrdreg s13  }
0x12: {  	s17 =	sor.u32 $0x50000, s29;
	s16 =	sadd.s32 s31, s11;
	[dreg:$0xb] =	wrdreg s15  }
0x13: {  	s18 =	sadd.s32 s28, s17;
	[dreg:$0xc] =	wrdreg s16  }
0x14: {  	s3 =	sshrl.u32 s3, $0x3;
	s19 =	sadd.s32 s31, s14;
	[dreg:$0xd] =	wrdreg s18  }
0x15: {  	s21 =	sadd.s32 s31, s17;
	s14 =	sor.u32 $0x70000, s29;
	[dreg:$0xe] =	wrdreg s19  }
0x16: {  	s12 =	sor.u32 $0x60000, s29;
	[dreg:$0x10] =	wrdreg s21;
	s22 =	sadd.s32 s28, s14  }
0x17: {  	s4 =	simm.s32 $0x1;
	s20 =	sadd.s32 s28, s12;
	[dreg:$0x11] =	wrdreg s22  }
0x18: {  	s1 =	sadd.s32 s28, s29;
	s2 =	simm.s32 $0x1C01;
	[dreg:$0xf] =	wrdreg s20  }
0x19: {  	[spmem:s3], [sflag:s2] =	dma.local [hbm:s1], $0x10000  }
0x1a: {  	_ =	swait.ge [sflag:s4], $0x10000  }
0x1b: {  	s5 =	sshrl.u32 s5, $0x3;
	[sflag:s4] =	ssyncset.done $0x0  }
0x1c: {  	s6 =	simm.s32 $0x1C02;
	s7 =	rddreg [dreg:$0x5];
	[sflag:s4] =	ssyncadd.s32 $0xFFFF0000  }
0x1d: {  	[spmem:s5], [sflag:s6] =	dma.local [hbm:s7], $0x10000  }
0x1e: {  	s8 =	simm.s32 $0x2;
	s7 =	simm.s32 $0x1C03;
	s9 =	rddreg [dreg:$0x6]  }
0x1f: {  	[hbm:s9], [sflag:s7] =	dma.local [spmem:s3], $0x10000  }
0x20: {  	_ =	swait.ge [sflag:s8], $0x10000  }
0x21: {  	[sflag:s8] =	ssyncset.done $0x0  }
0x22: {  	s23 =	rddreg [dreg:$0x7];
	[sflag:s8] =	ssyncadd.s32 $0xFFFF0000  }
0x23: {  	[spmem:s3], [sflag:s2] =	dma.local [hbm:s23], $0x10000  }
0x24: {  	s9 =	simm.s32 $0x1C04;
	s10 =	rddreg [dreg:$0x8]  }
0x25: {  	[hbm:s10], [sflag:s9] =	dma.local [spmem:s5], $0x10000  }
0x26: {  	_ =	swait.ge [sflag:s4], $0x10000  }
0x27: {  	[sflag:s4] =	ssyncset.done $0x0  }
0x28: {  	s10 =	simm.s32 $0x3;
	[sflag:s4] =	ssyncadd.s32 $0xFFFF0000  }
0x29: {  	_ =	swait.ge [sflag:s10], $0x10000  }
0x2a: {  	[sflag:s10] =	ssyncset.done $0x0  }
0x2b: {  	s11 =	rddreg [dreg:$0x9];
	[sflag:s10] =	ssyncadd.s32 $0xFFFF0000  }
0x2c: {  	[spmem:s5], [sflag:s6] =	dma.local [hbm:s11], $0x10000  }
0x2d: {  	s11 =	rddreg [dreg:$0xa]  }
0x2e: {  	[hbm:s11], [sflag:s7] =	dma.local [spmem:s3], $0x10000  }
0x2f: {  	_ =	swait.ge [sflag:s8], $0x10000  }
0x30: {  	[sflag:s8] =	ssyncset.done $0x0  }
0x31: {  	s11 =	simm.s32 $0x4;
	[sflag:s8] =	ssyncadd.s32 $0xFFFF0000  }
0x32: {  	_ =	swait.ge [sflag:s11], $0x10000  }
0x33: {  	[sflag:s11] =	ssyncset.done $0x0  }
0x34: {  	s13 =	rddreg [dreg:$0xb];
	[sflag:s11] =	ssyncadd.s32 $0xFFFF0000  }
0x35: {  	[spmem:s3], [sflag:s2] =	dma.local [hbm:s13], $0x10000  }
0x36: {  	s13 =	rddreg [dreg:$0xc]  }
0x37: {  	[hbm:s13], [sflag:s9] =	dma.local [spmem:s5], $0x10000  }
0x38: {  	_ =	swait.ge [sflag:s4], $0x10000  }
0x39: {  	[sflag:s4] =	ssyncset.done $0x0  }
0x3a: {  	[sflag:s4] =	ssyncadd.s32 $0xFFFF0000  }
0x3b: {  	_ =	swait.ge [sflag:s10], $0x10000  }
0x3c: {  	[sflag:s10] =	ssyncset.done $0x0  }
0x3d: {  	s24 =	rddreg [dreg:$0xd];
	[sflag:s10] =	ssyncadd.s32 $0xFFFF0000  }
0x3e: {  	[spmem:s5], [sflag:s6] =	dma.local [hbm:s24], $0x10000  }
0x3f: {  	s13 =	rddreg [dreg:$0xe]  }
0x40: {  	[hbm:s13], [sflag:s7] =	dma.local [spmem:s3], $0x10000  }
0x41: {  	_ =	swait.ge [sflag:s8], $0x10000  }
0x42: {  	[sflag:s8] =	ssyncset.done $0x0  }
0x43: {  	[sflag:s8] =	ssyncadd.s32 $0xFFFF0000  }
0x44: {  	_ =	swait.ge [sflag:s11], $0x10000  }
0x45: {  	[sflag:s11] =	ssyncset.done $0x0  }
0x46: {  	s25 =	rddreg [dreg:$0xf];
	[sflag:s11] =	ssyncadd.s32 $0xFFFF0000  }
0x47: {  	[spmem:s3], [sflag:s2] =	dma.local [hbm:s25], $0x10000  }
0x48: {  	s13 =	rddreg [dreg:$0x10]  }
0x49: {  	[hbm:s13], [sflag:s9] =	dma.local [spmem:s5], $0x10000  }
0x4a: {  	_ =	swait.ge [sflag:s4], $0x10000  }
0x4b: {  	[sflag:s4] =	ssyncset.done $0x0  }
0x4c: {  	[sflag:s4] =	ssyncadd.s32 $0xFFFF0000  }
0x4d: {  	_ =	swait.ge [sflag:s10], $0x10000  }
0x4e: {  	[sflag:s10] =	ssyncset.done $0x0  }
0x4f: {  	s12 =	sadd.s32 s31, s12;
	s26 =	rddreg [dreg:$0x11];
	[sflag:s10] =	ssyncadd.s32 $0xFFFF0000  }
0x50: {  	[spmem:s5], [sflag:s6] =	dma.local [hbm:s26], $0x10000  }
0x51: {  	[hbm:s12], [sflag:s7] =	dma.local [spmem:s3], $0x10000  }
0x52: {  	_ =	swait.ge [sflag:s8], $0x10000  }
0x53: {  	[sflag:s8] =	ssyncset.done $0x0  }
0x54: {  	[sflag:s8] =	ssyncadd.s32 $0xFFFF0000  }
0x55: {  	_ =	swait.ge [sflag:s11], $0x10000  }
0x56: {  	s16 =	sor.u32 $0x80000, s29;
	[sflag:s11] =	ssyncset.done $0x0  }
0x57: {  	s14 =	sadd.s32 s31, s14;
	s13 =	sadd.s32 s28, s16;
	[sflag:s11] =	ssyncadd.s32 $0xFFFF0000  }
0x58: {  	[spmem:s3], [sflag:s2] =	dma.local [hbm:s13], $0x10000  }
0x59: {  	[hbm:s14], [sflag:s9] =	dma.local [spmem:s5], $0x10000  }
0x5a: {  	_ =	swait.ge [sflag:s4], $0x10000  }
0x5b: {  	[sflag:s4] =	ssyncset.done $0x0  }
0x5c: {  	[sflag:s4] =	ssyncadd.s32 $0xFFFF0000  }
0x5d: {  	_ =	swait.ge [sflag:s10], $0x10000  }
0x5e: {  	s18 =	sor.u32 $0x90000, s29;
	[sflag:s10] =	ssyncset.done $0x0  }
0x5f: {  	s15 =	sadd.s32 s28, s18;
	s16 =	sadd.s32 s31, s16;
	[sflag:s10] =	ssyncadd.s32 $0xFFFF0000  }
0x60: {  	[spmem:s5], [sflag:s6] =	dma.local [hbm:s15], $0x10000  }
0x61: {  	[hbm:s16], [sflag:s7] =	dma.local [spmem:s3], $0x10000  }
0x62: {  	_ =	swait.ge [sflag:s8], $0x10000  }
0x63: {  	[sflag:s8] =	ssyncset.done $0x0  }
0x64: {  	[sflag:s8] =	ssyncadd.s32 $0xFFFF0000  }
0x65: {  	_ =	swait.ge [sflag:s11], $0x10000  }
0x66: {  	s20 =	sor.u32 $0xA0000, s29;
	[sflag:s11] =	ssyncset.done $0x0  }
0x67: {  	s18 =	sadd.s32 s31, s18;
	s17 =	sadd.s32 s28, s20;
	[sflag:s11] =	ssyncadd.s32 $0xFFFF0000  }
0x68: {  	[spmem:s3], [sflag:s2] =	dma.local [hbm:s17], $0x10000  }
0x69: {  	[hbm:s18], [sflag:s9] =	dma.local [spmem:s5], $0x10000  }
0x6a: {  	_ =	swait.ge [sflag:s4], $0x10000  }
0x6b: {  	[sflag:s4] =	ssyncset.done $0x0  }
0x6c: {  	[sflag:s4] =	ssyncadd.s32 $0xFFFF0000  }
0x6d: {  	_ =	swait.ge [sflag:s10], $0x10000  }
0x6e: {  	s21 =	sor.u32 $0xB0000, s29;
	[sflag:s10] =	ssyncset.done $0x0  }
0x6f: {  	s19 =	sadd.s32 s28, s21;
	s20 =	sadd.s32 s31, s20;
	[sflag:s10] =	ssyncadd.s32 $0xFFFF0000  }
0x70: {  	[spmem:s5], [sflag:s6] =	dma.local [hbm:s19], $0x10000  }
0x71: {  	[hbm:s20], [sflag:s7] =	dma.local [spmem:s3], $0x10000  }
0x72: {  	_ =	swait.ge [sflag:s8], $0x10000  }
0x73: {  	[sflag:s8] =	ssyncset.done $0x0  }
0x74: {  	[sflag:s8] =	ssyncadd.s32 $0xFFFF0000  }
0x75: {  	_ =	swait.ge [sflag:s11], $0x10000  }
0x76: {  	s23 =	sor.u32 $0xC0000, s29;
	[sflag:s11] =	ssyncset.done $0x0  }
0x77: {  	s21 =	sadd.s32 s31, s21;
	s22 =	sadd.s32 s28, s23;
	[sflag:s11] =	ssyncadd.s32 $0xFFFF0000  }
0x78: {  	[spmem:s3], [sflag:s2] =	dma.local [hbm:s22], $0x10000  }
0x79: {  	[hbm:s21], [sflag:s9] =	dma.local [spmem:s5], $0x10000  }
0x7a: {  	_ =	swait.ge [sflag:s4], $0x10000  }
0x7b: {  	[sflag:s4] =	ssyncset.done $0x0  }
0x7c: {  	[sflag:s4] =	ssyncadd.s32 $0xFFFF0000  }
0x7d: {  	_ =	swait.ge [sflag:s10], $0x10000  }
0x7e: {  	s25 =	sor.u32 $0xD0000, s29;
	[sflag:s10] =	ssyncset.done $0x0  }
0x7f: {  	s23 =	sadd.s32 s31, s23;
	s24 =	sadd.s32 s28, s25;
	[sflag:s10] =	ssyncadd.s32 $0xFFFF0000  }
0x80: {  	[spmem:s5], [sflag:s6] =	dma.local [hbm:s24], $0x10000  }
0x81: {  	[hbm:s23], [sflag:s7] =	dma.local [spmem:s3], $0x10000  }
0x82: {  	_ =	swait.ge [sflag:s8], $0x10000  }
0x83: {  	[sflag:s8] =	ssyncset.done $0x0  }
0x84: {  	[sflag:s8] =	ssyncadd.s32 $0xFFFF0000  }
0x85: {  	_ =	swait.ge [sflag:s11], $0x10000  }
0x86: {  	s0 =	sor.u32 $0xE0000, s29;
	[sflag:s11] =	ssyncset.done $0x0  }
0x87: {  	s25 =	sadd.s32 s31, s25;
	s26 =	sadd.s32 s28, s0;
	[sflag:s11] =	ssyncadd.s32 $0xFFFF0000  }
0x88: {  	[spmem:s3], [sflag:s2] =	dma.local [hbm:s26], $0x10000  }
0x89: {  	[hbm:s25], [sflag:s9] =	dma.local [spmem:s5], $0x10000  }
0x8a: {  	_ =	swait.ge [sflag:s4], $0x10000  }
0x8b: {  	[sflag:s4] =	ssyncset.done $0x0  }
0x8c: {  	[sflag:s4] =	ssyncadd.s32 $0xFFFF0000  }
0x8d: {  	_ =	swait.ge [sflag:s10], $0x10000  }
0x8e: {  	s30 =	sor.u32 $0xF0000, s29;
	[sflag:s10] =	ssyncset.done $0x0  }
0x8f: {  	s29 =	sadd.s32 s31, s0;
	s28 =	sadd.s32 s28, s30;
	[sflag:s10] =	ssyncadd.s32 $0xFFFF0000  }
0x90: {  	[spmem:s5], [sflag:s6] =	dma.local [hbm:s28], $0x10000  }
0x91: {  	[hbm:s29], [sflag:s7] =	dma.local [spmem:s3], $0x10000  }
0x92: {  	_ =	swait.ge [sflag:s8], $0x10000  }
0x93: {  	[sflag:s8] =	ssyncset.done $0x0  }
0x94: {  	[sflag:s8] =	ssyncadd.s32 $0xFFFF0000  }
0x95: {  	_ =	swait.ge [sflag:s11], $0x10000  }
0x96: {  	[sflag:s11] =	ssyncset.done $0x0;
	s0 =	rddreg [dreg:$0x12]  }
0x97: {  	s30 =	sadd.s32 s31, s30;
	s0 =	ssub.s32 $0x2, s0;
	[sflag:s11] =	ssyncadd.s32 $0xFFFF0000  }
0x98: {  	[hbm:s30], [sflag:s9] =	dma.local [spmem:s5], $0x10000  }
0x99: {  	s31 =	sshrl.u32 s0, $0x1  }
0x9a: {  	s0 =	ssub.s32 s0, s31  }
0x9b: {  	s0 =	smax.u32 s0, $0x1  }
0x9c: {  	p1 =	sne.s32 s0, $0x1  }
.Ltmp1:
0x9d: {  	_ =	swait.ge [sflag:s10], $0x10000;
	(pc) =	sbr.rel @!p1 .LBB2_3-.Ltmp1, $4  }
0x9e: {  	[sflag:s10] =	ssyncset.done $0x0  }
0x9f: {  	[sflag:s10] =	ssyncadd.s32 $0xFFFF0000  }
0xa0: {  	_ =	swait.ge [sflag:s11], $0x10000  }
0xa1: {  	s31 =	sadd.s32 $0xFFFFFFFF, s0;
	[sflag:s11] =	ssyncset.done $0x0  }
.LBB2_2:
0xa2: {  	[sflag:s11] =	ssyncadd.s32 $0xFFFF0000  }
0xa3: {  	[spmem:s3], [sflag:s2] =	dma.local [hbm:s1], $0x10000  }
0xa4: {  	_ =	swait.ge [sflag:s4], $0x10000  }
0xa5: {  	[sflag:s4] =	ssyncset.done $0x0  }
0xa6: {  	s0 =	rddreg [dreg:$0x5];
	[sflag:s4] =	ssyncadd.s32 $0xFFFF0000  }
0xa7: {  	[spmem:s5], [sflag:s6] =	dma.local [hbm:s0], $0x10000  }
0xa8: {  	s0 =	rddreg [dreg:$0x6]  }
0xa9: {  	[hbm:s0], [sflag:s7] =	dma.local [spmem:s3], $0x10000  }
0xaa: {  	_ =	swait.ge [sflag:s8], $0x10000  }
0xab: {  	[sflag:s8] =	ssyncset.done $0x0  }
0xac: {  	s0 =	rddreg [dreg:$0x7];
	[sflag:s8] =	ssyncadd.s32 $0xFFFF0000  }
0xad: {  	[spmem:s3], [sflag:s2] =	dma.local [hbm:s0], $0x10000  }
0xae: {  	s0 =	rddreg [dreg:$0x8]  }
0xaf: {  	[hbm:s0], [sflag:s9] =	dma.local [spmem:s5], $0x10000  }
0xb0: {  	_ =	swait.ge [sflag:s4], $0x10000  }
0xb1: {  	[sflag:s4] =	ssyncset.done $0x0  }
0xb2: {  	[sflag:s4] =	ssyncadd.s32 $0xFFFF0000  }
0xb3: {  	_ =	swait.ge [sflag:s10], $0x10000  }
0xb4: {  	[sflag:s10] =	ssyncset.done $0x0  }
0xb5: {  	s0 =	rddreg [dreg:$0x9];
	[sflag:s10] =	ssyncadd.s32 $0xFFFF0000  }
0xb6: {  	[spmem:s5], [sflag:s6] =	dma.local [hbm:s0], $0x10000  }
0xb7: {  	s0 =	rddreg [dreg:$0xa]  }
0xb8: {  	[hbm:s0], [sflag:s7] =	dma.local [spmem:s3], $0x10000  }
0xb9: {  	_ =	swait.ge [sflag:s8], $0x10000  }
0xba: {  	[sflag:s8] =	ssyncset.done $0x0  }
0xbb: {  	[sflag:s8] =	ssyncadd.s32 $0xFFFF0000  }
0xbc: {  	_ =	swait.ge [sflag:s11], $0x10000  }
0xbd: {  	[sflag:s11] =	ssyncset.done $0x0  }
0xbe: {  	s0 =	rddreg [dreg:$0xb];
	[sflag:s11] =	ssyncadd.s32 $0xFFFF0000  }
0xbf: {  	[spmem:s3], [sflag:s2] =	dma.local [hbm:s0], $0x10000  }
0xc0: {  	s0 =	rddreg [dreg:$0xc]  }
0xc1: {  	[hbm:s0], [sflag:s9] =	dma.local [spmem:s5], $0x10000  }
0xc2: {  	_ =	swait.ge [sflag:s4], $0x10000  }
0xc3: {  	[sflag:s4] =	ssyncset.done $0x0  }
0xc4: {  	[sflag:s4] =	ssyncadd.s32 $0xFFFF0000  }
0xc5: {  	_ =	swait.ge [sflag:s10], $0x10000  }
0xc6: {  	[sflag:s10] =	ssyncset.done $0x0  }
0xc7: {  	s0 =	rddreg [dreg:$0xd];
	[sflag:s10] =	ssyncadd.s32 $0xFFFF0000  }
0xc8: {  	[spmem:s5], [sflag:s6] =	dma.local [hbm:s0], $0x10000  }
0xc9: {  	s0 =	rddreg [dreg:$0xe]  }
0xca: {  	[hbm:s0], [sflag:s7] =	dma.local [spmem:s3], $0x10000  }
0xcb: {  	_ =	swait.ge [sflag:s8], $0x10000  }
0xcc: {  	[sflag:s8] =	ssyncset.done $0x0  }
0xcd: {  	[sflag:s8] =	ssyncadd.s32 $0xFFFF0000  }
0xce: {  	_ =	swait.ge [sflag:s11], $0x10000  }
0xcf: {  	[sflag:s11] =	ssyncset.done $0x0  }
0xd0: {  	s0 =	rddreg [dreg:$0xf];
	[sflag:s11] =	ssyncadd.s32 $0xFFFF0000  }
0xd1: {  	[spmem:s3], [sflag:s2] =	dma.local [hbm:s0], $0x10000  }
0xd2: {  	s0 =	rddreg [dreg:$0x10]  }
0xd3: {  	[hbm:s0], [sflag:s9] =	dma.local [spmem:s5], $0x10000  }
0xd4: {  	_ =	swait.ge [sflag:s4], $0x10000  }
0xd5: {  	[sflag:s4] =	ssyncset.done $0x0  }
0xd6: {  	[sflag:s4] =	ssyncadd.s32 $0xFFFF0000  }
0xd7: {  	_ =	swait.ge [sflag:s10], $0x10000  }
0xd8: {  	[sflag:s10] =	ssyncset.done $0x0  }
0xd9: {  	s0 =	rddreg [dreg:$0x11];
	[sflag:s10] =	ssyncadd.s32 $0xFFFF0000  }
0xda: {  	[spmem:s5], [sflag:s6] =	dma.local [hbm:s0], $0x10000  }
0xdb: {  	[hbm:s12], [sflag:s7] =	dma.local [spmem:s3], $0x10000  }
0xdc: {  	_ =	swait.ge [sflag:s8], $0x10000  }
0xdd: {  	[sflag:s8] =	ssyncset.done $0x0  }
0xde: {  	[sflag:s8] =	ssyncadd.s32 $0xFFFF0000  }
0xdf: {  	_ =	swait.ge [sflag:s11], $0x10000  }
0xe0: {  	[sflag:s11] =	ssyncset.done $0x0  }
0xe1: {  	[sflag:s11] =	ssyncadd.s32 $0xFFFF0000  }
0xe2: {  	[spmem:s3], [sflag:s2] =	dma.local [hbm:s13], $0x10000  }
0xe3: {  	[hbm:s14], [sflag:s9] =	dma.local [spmem:s5], $0x10000  }
0xe4: {  	_ =	swait.ge [sflag:s4], $0x10000  }
0xe5: {  	[sflag:s4] =	ssyncset.done $0x0  }
0xe6: {  	[sflag:s4] =	ssyncadd.s32 $0xFFFF0000  }
0xe7: {  	_ =	swait.ge [sflag:s10], $0x10000  }
0xe8: {  	[sflag:s10] =	ssyncset.done $0x0  }
0xe9: {  	[sflag:s10] =	ssyncadd.s32 $0xFFFF0000  }
0xea: {  	[spmem:s5], [sflag:s6] =	dma.local [hbm:s15], $0x10000  }
0xeb: {  	[hbm:s16], [sflag:s7] =	dma.local [spmem:s3], $0x10000  }
0xec: {  	_ =	swait.ge [sflag:s8], $0x10000  }
0xed: {  	[sflag:s8] =	ssyncset.done $0x0  }
0xee: {  	[sflag:s8] =	ssyncadd.s32 $0xFFFF0000  }
0xef: {  	_ =	swait.ge [sflag:s11], $0x10000  }
0xf0: {  	[sflag:s11] =	ssyncset.done $0x0  }
0xf1: {  	[sflag:s11] =	ssyncadd.s32 $0xFFFF0000  }
0xf2: {  	[spmem:s3], [sflag:s2] =	dma.local [hbm:s17], $0x10000  }
0xf3: {  	[hbm:s18], [sflag:s9] =	dma.local [spmem:s5], $0x10000  }
0xf4: {  	_ =	swait.ge [sflag:s4], $0x10000  }
0xf5: {  	[sflag:s4] =	ssyncset.done $0x0  }
0xf6: {  	[sflag:s4] =	ssyncadd.s32 $0xFFFF0000  }
0xf7: {  	_ =	swait.ge [sflag:s10], $0x10000  }
0xf8: {  	[sflag:s10] =	ssyncset.done $0x0  }
0xf9: {  	[sflag:s10] =	ssyncadd.s32 $0xFFFF0000  }
0xfa: {  	[spmem:s5], [sflag:s6] =	dma.local [hbm:s19], $0x10000  }
0xfb: {  	[hbm:s20], [sflag:s7] =	dma.local [spmem:s3], $0x10000  }
0xfc: {  	_ =	swait.ge [sflag:s8], $0x10000  }
0xfd: {  	[sflag:s8] =	ssyncset.done $0x0  }
0xfe: {  	[sflag:s8] =	ssyncadd.s32 $0xFFFF0000  }
0xff: {  	_ =	swait.ge [sflag:s11], $0x10000  }
0x100: {  	[sflag:s11] =	ssyncset.done $0x0  }
0x101: {  	[sflag:s11] =	ssyncadd.s32 $0xFFFF0000  }
0x102: {  	[spmem:s3], [sflag:s2] =	dma.local [hbm:s22], $0x10000  }
0x103: {  	[hbm:s21], [sflag:s9] =	dma.local [spmem:s5], $0x10000  }
0x104: {  	_ =	swait.ge [sflag:s4], $0x10000  }
0x105: {  	[sflag:s4] =	ssyncset.done $0x0  }
0x106: {  	[sflag:s4] =	ssyncadd.s32 $0xFFFF0000  }
0x107: {  	_ =	swait.ge [sflag:s10], $0x10000  }
0x108: {  	[sflag:s10] =	ssyncset.done $0x0  }
0x109: {  	[sflag:s10] =	ssyncadd.s32 $0xFFFF0000  }
0x10a: {  	[spmem:s5], [sflag:s6] =	dma.local [hbm:s24], $0x10000  }
0x10b: {  	[hbm:s23], [sflag:s7] =	dma.local [spmem:s3], $0x10000  }
0x10c: {  	_ =	swait.ge [sflag:s8], $0x10000  }
0x10d: {  	[sflag:s8] =	ssyncset.done $0x0  }
0x10e: {  	[sflag:s8] =	ssyncadd.s32 $0xFFFF0000  }
0x10f: {  	_ =	swait.ge [sflag:s11], $0x10000  }
0x110: {  	[sflag:s11] =	ssyncset.done $0x0  }
0x111: {  	[sflag:s11] =	ssyncadd.s32 $0xFFFF0000  }
0x112: {  	[spmem:s3], [sflag:s2] =	dma.local [hbm:s26], $0x10000  }
0x113: {  	[hbm:s25], [sflag:s9] =	dma.local [spmem:s5], $0x10000  }
0x114: {  	_ =	swait.ge [sflag:s4], $0x10000  }
0x115: {  	[sflag:s4] =	ssyncset.done $0x0  }
0x116: {  	[sflag:s4] =	ssyncadd.s32 $0xFFFF0000  }
0x117: {  	_ =	swait.ge [sflag:s10], $0x10000  }
0x118: {  	[sflag:s10] =	ssyncset.done $0x0  }
0x119: {  	[sflag:s10] =	ssyncadd.s32 $0xFFFF0000  }
0x11a: {  	[spmem:s5], [sflag:s6] =	dma.local [hbm:s28], $0x10000  }
0x11b: {  	[hbm:s29], [sflag:s7] =	dma.local [spmem:s3], $0x10000  }
0x11c: {  	_ =	swait.ge [sflag:s8], $0x10000  }
0x11d: {  	[sflag:s8] =	ssyncset.done $0x0  }
0x11e: {  	[sflag:s8] =	ssyncadd.s32 $0xFFFF0000  }
0x11f: {  	_ =	swait.ge [sflag:s11], $0x10000  }
0x120: {  	[sflag:s11] =	ssyncset.done $0x0  }
0x121: {  	p1 =	sne.s32 s31, $0x1;
	[sflag:s11] =	ssyncadd.s32 $0xFFFF0000  }
0x122: {  	[hbm:s30], [sflag:s9] =	dma.local [spmem:s5], $0x10000  }
.Ltmp2:
0x123: {  	_ =	swait.ge [sflag:s10], $0x10000;
	(pc) =	sbr.rel @p1 .LBB2_2-.Ltmp2, $4  }
0x124: {  	[sflag:s10] =	ssyncset.done $0x0  }
0x125: {  	[sflag:s10] =	ssyncadd.s32 $0xFFFF0000  }
0x126: {  	_ =	swait.ge [sflag:s11], $0x10000  }
0x127: {  	s31 =	sadd.s32 $0xFFFFFFFF, s31;
	[sflag:s11] =	ssyncset.done $0x0  }
.LBB2_3:
0x128: {  	[sflag:s11] =	ssyncadd.s32 $0xFFFF0000  }
0x129: {  	s0 =	rddreg [dreg:$0x4]  }
.LBB2_4:
0x12a: {  	_ =	sfence.sel $0x180000  }
0x12b: {  	[bflag:$0x0] =	sbarrier.arrive $0xFFFF  }
0x12c: {  	_ =	strace $0x90000047  }
0x12d: {  	s0 =	sadd.s32 @!p0 $0x100000, s0;
	[bflag:$0x2] =	sbarrier.arrive $0xFFFF  }
0x12e: {  	[sflag:s0] =	ssyncadd.tile.s32 @!p0 $0x1;
	_ =	shalt  }
.Lfunc_end2:
_tile_overlayer_lowered:
.L_overlay_start_2:
0x12f: {  	(tag) =	ssettag $0x2  }
0x130: {  	s0 =	rddreg [dreg:$0x0];
	s2 =	stileid.u32  }
0x131: {  	s1 =	rddreg [dreg:$0x1];
	p0 =	sne.s32 s2, $0x0  }
0x132: {  	s3 =	rddreg [dreg:$0x2];
	[bflag:$0x3] =	sbarrier.arrive $0xFFFF;
	s2 =	simm.s32 @!p0 $0x1C05  }
0x133: {  	[timem:s3], [sflag:s2] =	dma.local @!p0 [hbm:s0], s1  }
0x134: {  	s0 =	simm.s32 @!p0 $0x5  }
0x135: {  	_ =	swait.ge @!p0 [sflag:s0], s1  }
0x136: {  	s1 =	ssub.s32 @!p0 $0x0, s1;
	[sflag:s0] =	ssyncset.done @!p0 $0x0  }
0x137: {  	[sflag:s0] =	ssyncadd.s32 @!p0 s1  }
0x138: {  	[bflag:$0x3] =	sbarrier.arrive $0xFFFF  }
0x139: {  	_ =	shalt  }

</sc_bundles>
